<compile_context>
chip_gen: v7x
topology: tpu7x:2x2x1
jax: 0.10.2.dev20260603
libtpu: 0.0.44.dev20260713+nightly
codegen_flags: <defaults>
</compile_context>

<pallas_src>
import functools

import jax
import jax.numpy as jnp
from jax import lax
from jax.experimental import pallas as pl
from jax.experimental.pallas import tpu as pltpu
from jax.experimental.pallas import tpu_sc as plsc

_L = 16
_NW = 32


@functools.lru_cache(maxsize=None)
def _build_sc_call(n: int, nkp: int):
  assert n % _L == 0
  chunk = -(-(n // _NW) // _L) * _L
  tail = n - (_NW - 1) * chunk
  assert 0 < tail <= chunk
  nseg = float(nkp - 1)
  jmax = nkp - 2

  mesh = plsc.VectorSubcoreMesh(
      core_axis_name="c", subcore_axis_name="s", num_cores=2, num_subcores=16)

  @functools.partial(
      pl.kernel,
      mesh=mesh,
      compiler_params=pltpu.CompilerParams(needs_layout_passes=False),
      out_type=jax.ShapeDtypeStruct((n,), jnp.float32),
      scratch_types=[
          pltpu.VMEM((chunk,), jnp.float32),
          pltpu.VMEM((chunk,), jnp.float32),
          pltpu.VMEM((_L,), jnp.float32),
          pltpu.VMEM((3 * _L,), jnp.float32),
          pltpu.VMEM((2 * _L,), jnp.float32),
          pltpu.VMEM((3 * _L,), jnp.float32),
          pltpu.VMEM((2 * _L,), jnp.float32),
          pltpu.VMEM((2 * _L,), jnp.float32),
          pltpu.VMEM((_L,), jnp.float32),
          pltpu.SemaphoreType.DMA,
          pltpu.SemaphoreType.DMA,
          pltpu.SemaphoreType.DMA,
          pltpu.SemaphoreType.DMA,
      ],
  )
  def sc_call(x_hbm, yp_hbm, kp_hbm, par_hbm, out_hbm,
              xv, ov, pv, kpv, ypv, yv, sv, bv, tv,
              sem_i0, sem_i1, sem_o0, sem_o1):
    wid = lax.axis_index("s") * 2 + lax.axis_index("c")
    is_tail = wid == (_NW - 1)

    def run(cnt, base):
      p0 = (cnt // 2) // _L * _L
      p1 = cnt - p0

      d0 = pltpu.async_copy(
          x_hbm.at[pl.ds(base, p0)], xv.at[pl.ds(0, p0)], sem_i0)
      d1 = pltpu.async_copy(
          x_hbm.at[pl.ds(base + p0, p1)], xv.at[pl.ds(p0, p1)], sem_i1)

      pltpu.sync_copy(par_hbm, pv)
      pltpu.sync_copy(kp_hbm, kpv.at[pl.ds(0, 2 * _L)])
      pltpu.sync_copy(yp_hbm, ypv)

      idx = lax.iota(jnp.int32, _L)

      def bcast(slot):
        return plsc.load_gather(pv, [jnp.full((_L,), slot, jnp.int32)])

      off = bcast(1)
      scl = bcast(2)
      my = bcast(3)
      mono = bcast(4)
      inv_scale = 1.0 / scl
      e2 = jnp.exp(2.0 * my)
      missing = (1.0 - 2.0 / (e2 + 1.0)) * 0.5 * mono

      a0 = jnp.abs(ypv[pl.ds(0, _L)]) + 1e-9
      a1 = jnp.where(idx < (_L - 1), jnp.abs(ypv[pl.ds(_L, _L)]) + 1e-9, 0.0)
      c0 = plsc.cumsum(a0)
      c1 = plsc.cumsum(a1)
      full15 = jnp.full((_L,), _L - 1, jnp.int32)
      tv[...] = c0
      s0 = plsc.load_gather(tv, [full15])
      tv[...] = c1
      s1 = plsc.load_gather(tv, [full15])
      inv_total = 1.0 / (s0 + s1)
      cc0 = c0 * inv_total
      cc1 = (c1 + s0) * inv_total
      yv[pl.ds(0, _L)] = jnp.zeros((_L,), jnp.float32)
      plsc.store_scatter(yv, [idx + 1], cc0)
      plsc.store_scatter(yv, [idx + 17], cc1)

      for h in range(2):
        k_lo = kpv[pl.ds(h * _L, _L)]
        k_hi = plsc.load_gather(kpv, [idx + (h * _L + 1)])
        y_lo = yv[pl.ds(h * _L, _L)]
        y_hi = plsc.load_gather(yv, [idx + (h * _L + 1)])
        s_t = (y_hi - y_lo) / (k_hi - k_lo + 1e-7)
        sv[pl.ds(h * _L, _L)] = s_t * inv_scale * mono
        bv[pl.ds(h * _L, _L)] = (
            y_lo - (k_lo + off * inv_scale) * s_t - 0.5) * mono

      x_lo = off
      x_hi = off + scl
      jfac = inv_scale * nseg

      def one_vec(b):
        xr = xv[pl.ds(b, _L)]
        xc = jnp.minimum(jnp.maximum(xr, x_lo), x_hi)
        j = jnp.minimum(((xc - x_lo) * jfac).astype(jnp.int32), jmax)
        s_j = plsc.load_gather(sv, [j])
        b_j = plsc.load_gather(bv, [j])
        val = b_j + xc * s_j
        res = jnp.where(xr == 11.11, missing, val)
        ov[pl.ds(b, _L)] = res

      d0.wait()

      @plsc.parallel_loop(0, p0, _L, unroll=8)
      def _(b):
        one_vec(b)

      o0 = pltpu.async_copy(
          ov.at[pl.ds(0, p0)], out_hbm.at[pl.ds(base, p0)], sem_o0)
      d1.wait()

      @plsc.parallel_loop(p0, cnt, _L, unroll=8)
      def _(b):
        one_vec(b)

      o1 = pltpu.async_copy(
          ov.at[pl.ds(p0, p1)], out_hbm.at[pl.ds(base + p0, p1)], sem_o1)
      o0.wait()
      o1.wait()

    @pl.when(jnp.logical_not(is_tail))
    def _():
      run(chunk, wid * chunk)

    @pl.when(is_tail)
    def _():
      run(tail, (_NW - 1) * chunk)

  return sc_call


def kernel(x, yp, missing_y, keypoints, offset, scale, monotonicity):
  n = x.shape[0]
  nkp = keypoints.shape[1]
  xf = x.reshape(-1)
  ypad = jnp.pad(yp.reshape(-1), (0, 2 * _L - yp.shape[1]))
  kp = keypoints.reshape(-1)
  params = (
      jnp.zeros((_L,), jnp.float32)
      .at[1].set(offset.reshape(-1)[0])
      .at[2].set(scale.reshape(-1)[0])
      .at[3].set(missing_y.reshape(-1)[0])
      .at[4].set(monotonicity.reshape(-1)[0])
  )
  out = _build_sc_call(n, nkp)(xf, ypad, kp, params)
  return out.reshape(n, 1)

# --- scband reference (transcript-rebuilt; emitter-appended) ---
"""Pipeline reference for scband-calibrator-11184094839091 (READ-ONLY COPY).

The authoritative reference and input builder live on the scoring server;
editing this copy changes nothing except your own understanding.
"""

import jax, jax.numpy as jnp
import numpy as np


def calibrate1d(x, xp, yp):
    N = x.shape[0]
    xb = jnp.concatenate([x[:, :, None], jnp.broadcast_to(xp[None, :, :], (N, xp.shape[0], xp.shape[1]))], axis=2)
    num_x_points = xp.shape[1]
    sorted_xb = jnp.sort(xb, axis=2)
    x_indices = jnp.argsort(xb, axis=2)
    x_idx = jnp.argmin(x_indices, axis=2)
    cand_start = x_idx - 1
    start_idx = jnp.where(x_idx == 0, 1, jnp.where(x_idx == num_x_points, num_x_points - 2, cand_start))
    end_idx = jnp.where(start_idx == cand_start, start_idx + 2, start_idx + 1)
    start_x = jnp.take_along_axis(sorted_xb, start_idx[:, :, None], axis=2)[:, :, 0]
    end_x = jnp.take_along_axis(sorted_xb, end_idx[:, :, None], axis=2)[:, :, 0]
    start_idx2 = jnp.where(x_idx == 0, 0, jnp.where(x_idx == num_x_points, num_x_points - 2, cand_start))
    y_pos = jnp.broadcast_to(yp[None, :, :], (N, yp.shape[0], yp.shape[1]))
    start_y = jnp.take_along_axis(y_pos, start_idx2[:, :, None], axis=2)[:, :, 0]
    end_y = jnp.take_along_axis(y_pos, (start_idx2 + 1)[:, :, None], axis=2)[:, :, 0]
    return start_y + (x - start_x) * (end_y - start_y) / (end_x - start_x + 1e-07)


def setup_inputs(seed: int = 0):
    key = jax.random.key(seed)
    x = jax.random.uniform(key, (1000000, 1), dtype=jnp.float32)
    kp = jnp.asarray(np.round(np.linspace(0.0, 1.0, 32), 6), dtype=jnp.float32)[None, :]
    offset = kp[:, :1]
    scale = kp[:, -1:] - offset
    keypoints = (kp - offset) / scale
    yp = keypoints[:, 1:] - keypoints[:, :-1]
    missing_y = jnp.zeros((1, 1), dtype=jnp.float32)
    monotonicity = jnp.ones((1, 1), dtype=jnp.float32)
    return {"x": x, "yp": yp, "missing_y": missing_y, "keypoints": keypoints, "offset": offset, "scale": scale, "monotonicity": monotonicity}


def reference(x, yp, missing_y, keypoints, offset, scale, monotonicity):
    missing_value = 11.11
    missing = jnp.zeros_like(x) + jnp.tanh(missing_y) / 2.0
    yp_c = jnp.cumsum(jnp.abs(yp) + 1e-09, axis=1)
    last_val = yp_c[:, -1:]
    yp_full = jnp.concatenate([jnp.zeros_like(last_val), yp_c / last_val], axis=1)
    x_t = jnp.clip((x - offset) / scale, 0.0, 1.0)
    calibrated = calibrate1d(x_t, keypoints, yp_full) - 0.5
    return monotonicity * jnp.where(x == missing_value, missing, calibrated)

if __name__ == "__main__":
    import jax
    _d = setup_inputs()
    print(jax.jit(kernel)(*tuple(_d.values())))

</pallas_src>

<mosaic_0001>
#map = affine_map<(d0, d1) -> (0)>
module attributes {stable_mosaic.version = 14 : i64} {
  func.func @sc_call(%arg0: i32, %arg1: i32, %arg2: memref<1000000xf32, #tpu.memory_space<hbm>>, %arg3: memref<32xf32, #tpu.memory_space<hbm>>, %arg4: memref<32xf32, #tpu.memory_space<hbm>>, %arg5: memref<16xf32, #tpu.memory_space<hbm>>, %arg6: memref<1000000xf32, #tpu.memory_space<hbm>>, %arg7: memref<31264xf32, #tpu.memory_space<vmem>>, %arg8: memref<31264xf32, #tpu.memory_space<vmem>>, %arg9: memref<16xf32, #tpu.memory_space<vmem>>, %arg10: memref<48xf32, #tpu.memory_space<vmem>>, %arg11: memref<32xf32, #tpu.memory_space<vmem>>, %arg12: memref<48xf32, #tpu.memory_space<vmem>>, %arg13: memref<32xf32, #tpu.memory_space<vmem>>, %arg14: memref<32xf32, #tpu.memory_space<vmem>>, %arg15: memref<16xf32, #tpu.memory_space<vmem>>, %arg16: memref<!tpu.dma_semaphore, #tpu.memory_space<semaphore_mem>>, %arg17: memref<!tpu.dma_semaphore, #tpu.memory_space<semaphore_mem>>, %arg18: memref<!tpu.dma_semaphore, #tpu.memory_space<semaphore_mem>>, %arg19: memref<!tpu.dma_semaphore, #tpu.memory_space<semaphore_mem>>) attributes {dimension_semantics = [#tpu.dimension_semantics<core_parallel>, #tpu.dimension_semantics<subcore_parallel>], iteration_bounds = array<i64: 2, 16>, scalar_prefetch = 0 : i64, scratch_operands = 13 : i64, tpu.core_type = #tpu.core_type<sc_vector_subcore>, window_params = [{transform_indices = #map}, {transform_indices = #map}, {transform_indices = #map}, {transform_indices = #map}, {transform_indices = #map}]} {
    %mul3A = arith.constant 2 : i32
    %mul3A_0 = arith.muli %arg1, %mul3A : i32
    %add3A = arith.addi %mul3A_0, %arg0 : i32
    %eq3A = arith.constant 31 : i32
    %eq3A_1 = arith.cmpi eq, %add3A, %eq3A : i32
    %not3A = arith.constant true
    %not3A_2 = arith.xori %eq3A_1, %not3A : i1
    %convert_element_type3A = arith.extui %not3A_2 : i1 to i32
    %cond3A = arith.constant 0 : i32
    %cond3A_3 = arith.cmpi ne, %convert_element_type3A, %cond3A : i32
    scf.if %cond3A_3 {
      %mul3A_7 = arith.constant 31264 : i32
      %mul3A_8 = arith.muli %add3A, %mul3A_7 : i32
      %dma_start3A = arith.constant 0 : i32
      %dma_start3A_9 = tpu.memref_slice %arg7[%dma_start3A] : memref<31264xf32, #tpu.memory_space<vmem>> -> memref<15632xf32, #tpu.memory_space<vmem>>
      %dma_start3A_10 = tpu.memref_slice %arg2[%mul3A_8] : memref<1000000xf32, #tpu.memory_space<hbm>> -> memref<15632xf32, #tpu.memory_space<hbm>>
      %dma_start3A_11 = arith.constant 0 : i32
      %dma_start3A_12 = tpu.memref_slice %arg7[%dma_start3A_11] : memref<31264xf32, #tpu.memory_space<vmem>> -> memref<15632xf32, #tpu.memory_space<vmem>>
      %dma_start3A_13 = tpu.memref_slice %arg2[%mul3A_8] : memref<1000000xf32, #tpu.memory_space<hbm>> -> memref<15632xf32, #tpu.memory_space<hbm>>
      tpu.enqueue_dma source(%dma_start3A_13 : memref<15632xf32, #tpu.memory_space<hbm>>) target(%dma_start3A_12 : memref<15632xf32, #tpu.memory_space<vmem>>) target_semaphore(%arg16 : memref<!tpu.dma_semaphore, #tpu.memory_space<semaphore_mem>>)
      %add3A_14 = arith.constant 15632 : i32
      %add3A_15 = arith.addi %mul3A_8, %add3A_14 : i32
      %dma_start3A_16 = arith.constant 15632 : i32
      %dma_start3A_17 = tpu.memref_slice %arg7[%dma_start3A_16] : memref<31264xf32, #tpu.memory_space<vmem>> -> memref<15632xf32, #tpu.memory_space<vmem>>
      %dma_start3A_18 = tpu.memref_slice %arg2[%add3A_15] : memref<1000000xf32, #tpu.memory_space<hbm>> -> memref<15632xf32, #tpu.memory_space<hbm>>
      %dma_start3A_19 = arith.constant 15632 : i32
      %dma_start3A_20 = tpu.memref_slice %arg7[%dma_start3A_19] : memref<31264xf32, #tpu.memory_space<vmem>> -> memref<15632xf32, #tpu.memory_space<vmem>>
      %dma_start3A_21 = tpu.memref_slice %arg2[%add3A_15] : memref<1000000xf32, #tpu.memory_space<hbm>> -> memref<15632xf32, #tpu.memory_space<hbm>>
      tpu.enqueue_dma source(%dma_start3A_21 : memref<15632xf32, #tpu.memory_space<hbm>>) target(%dma_start3A_20 : memref<15632xf32, #tpu.memory_space<vmem>>) target_semaphore(%arg17 : memref<!tpu.dma_semaphore, #tpu.memory_space<semaphore_mem>>)
      "tpu.region"() ({
        %run_scoped3A = tpu.sem_alloc : memref<!tpu.dma_semaphore, #tpu.memory_space<semaphore_mem>>
        tpu.enqueue_dma source(%arg5 : memref<16xf32, #tpu.memory_space<hbm>>) target(%arg9 : memref<16xf32, #tpu.memory_space<vmem>>) target_semaphore(%run_scoped3A : memref<!tpu.dma_semaphore, #tpu.memory_space<semaphore_mem>>)
        tpu.wait_dma2 semaphore(%run_scoped3A : memref<!tpu.dma_semaphore, #tpu.memory_space<semaphore_mem>>) src(%arg5 : memref<16xf32, #tpu.memory_space<hbm>>) dst(%arg9 : memref<16xf32, #tpu.memory_space<vmem>>)
        tpu.yield
      }) : () -> ()
      "tpu.region"() ({
        %run_scoped3A = tpu.sem_alloc : memref<!tpu.dma_semaphore, #tpu.memory_space<semaphore_mem>>
        %dma_start3A_201 = arith.constant 0 : i32
        %dma_start3A_202 = tpu.memref_slice %arg10[%dma_start3A_201] : memref<48xf32, #tpu.memory_space<vmem>> -> memref<32xf32, #tpu.memory_space<vmem>>
        %dma_start3A_203 = arith.constant 0 : i32
        %dma_start3A_204 = tpu.memref_slice %arg10[%dma_start3A_203] : memref<48xf32, #tpu.memory_space<vmem>> -> memref<32xf32, #tpu.memory_space<vmem>>
        tpu.enqueue_dma source(%arg4 : memref<32xf32, #tpu.memory_space<hbm>>) target(%dma_start3A_204 : memref<32xf32, #tpu.memory_space<vmem>>) target_semaphore(%run_scoped3A : memref<!tpu.dma_semaphore, #tpu.memory_space<semaphore_mem>>)
        %dma_wait3A_205 = arith.constant 0 : i32
        %dma_wait3A_206 = tpu.memref_slice %arg10[%dma_wait3A_205] : memref<48xf32, #tpu.memory_space<vmem>> -> memref<32xf32, #tpu.memory_space<vmem>>
        %dma_wait3A_207 = arith.constant 0 : i32
        %dma_wait3A_208 = tpu.memref_slice %arg10[%dma_wait3A_207] : memref<48xf32, #tpu.memory_space<vmem>> -> memref<32xf32, #tpu.memory_space<vmem>>
        tpu.wait_dma2 semaphore(%run_scoped3A : memref<!tpu.dma_semaphore, #tpu.memory_space<semaphore_mem>>) src(%arg4 : memref<32xf32, #tpu.memory_space<hbm>>) dst(%dma_wait3A_208 : memref<32xf32, #tpu.memory_space<vmem>>)
        tpu.yield
      }) : () -> ()
      "tpu.region"() ({
        %run_scoped3A = tpu.sem_alloc : memref<!tpu.dma_semaphore, #tpu.memory_space<semaphore_mem>>
        tpu.enqueue_dma source(%arg3 : memref<32xf32, #tpu.memory_space<hbm>>) target(%arg11 : memref<32xf32, #tpu.memory_space<vmem>>) target_semaphore(%run_scoped3A : memref<!tpu.dma_semaphore, #tpu.memory_space<semaphore_mem>>)
        tpu.wait_dma2 semaphore(%run_scoped3A : memref<!tpu.dma_semaphore, #tpu.memory_space<semaphore_mem>>) src(%arg3 : memref<32xf32, #tpu.memory_space<hbm>>) dst(%arg11 : memref<32xf32, #tpu.memory_space<vmem>>)
        tpu.yield
      }) : () -> ()
      %iota3A = tpu.iota {dimensions = array<i32: 0>} : vector<16xi32>
      %broadcast_in_dim3A = arith.constant 1 : i32
      %broadcast_in_dim3A_22 = vector.broadcast %broadcast_in_dim3A : i32 to vector<16xi32>
      %gather3A = tpu.vector_load_idx %arg9[%broadcast_in_dim3A_22] : memref<16xf32, #tpu.memory_space<vmem>>[vector<16xi32>], vector<16xf32>,
      %broadcast_in_dim3A_23 = arith.constant 2 : i32
      %broadcast_in_dim3A_24 = vector.broadcast %broadcast_in_dim3A_23 : i32 to vector<16xi32>
      %gather3A_25 = tpu.vector_load_idx %arg9[%broadcast_in_dim3A_24] : memref<16xf32, #tpu.memory_space<vmem>>[vector<16xi32>], vector<16xf32>,
      %broadcast_in_dim3A_26 = arith.constant 3 : i32
      %broadcast_in_dim3A_27 = vector.broadcast %broadcast_in_dim3A_26 : i32 to vector<16xi32>
      %gather3A_28 = tpu.vector_load_idx %arg9[%broadcast_in_dim3A_27] : memref<16xf32, #tpu.memory_space<vmem>>[vector<16xi32>], vector<16xf32>,
      %broadcast_in_dim3A_29 = arith.constant 4 : i32
      %broadcast_in_dim3A_30 = vector.broadcast %broadcast_in_dim3A_29 : i32 to vector<16xi32>
      %gather3A_31 = tpu.vector_load_idx %arg9[%broadcast_in_dim3A_30] : memref<16xf32, #tpu.memory_space<vmem>>[vector<16xi32>], vector<16xf32>,
      %div3A = arith.constant 1.000000e+00 : f32
      %div3A_32 = vector.broadcast %div3A : f32 to vector<16xf32>
      %div3A_33 = arith.divf %div3A_32, %gather3A_25 : vector<16xf32>
      %mul3A_34 = arith.constant 2.000000e+00 : f32
      %mul3A_35 = vector.broadcast %mul3A_34 : f32 to vector<16xf32>
      %mul3A_36 = arith.mulf %mul3A_35, %gather3A_28 : vector<16xf32>
      %exp3A = math.exp %mul3A_36 : vector<16xf32>
      %add3A_37 = arith.constant 1.000000e+00 : f32
      %add3A_38 = vector.broadcast %add3A_37 : f32 to vector<16xf32>
      %add3A_39 = arith.addf %exp3A, %add3A_38 : vector<16xf32>
      %div3A_40 = arith.constant 2.000000e+00 : f32
      %div3A_41 = vector.broadcast %div3A_40 : f32 to vector<16xf32>
      %div3A_42 = arith.divf %div3A_41, %add3A_39 : vector<16xf32>
      %sub3A = arith.constant 1.000000e+00 : f32
      %sub3A_43 = vector.broadcast %sub3A : f32 to vector<16xf32>
      %sub3A_44 = arith.subf %sub3A_43, %div3A_42 : vector<16xf32>
      %mul3A_45 = arith.constant 5.000000e-01 : f32
      %mul3A_46 = vector.broadcast %mul3A_45 : f32 to vector<16xf32>
      %mul3A_47 = arith.mulf %sub3A_44, %mul3A_46 : vector<16xf32>
      %mul3A_48 = arith.mulf %mul3A_47, %gather3A_31 : vector<16xf32>
      %get3A = arith.constant 0 : index
      %get3A_49 = tpu.vector_load %arg11[%get3A] {strides = array<i32>} : memref<32xf32, #tpu.memory_space<vmem>>, vector<16xf32>,
      %abs3A = math.absf %get3A_49 : vector<16xf32>
      %add3A_50 = arith.constant 9.99999971E-10 : f32
      %add3A_51 = vector.broadcast %add3A_50 : f32 to vector<16xf32>
      %add3A_52 = arith.addf %abs3A, %add3A_51 : vector<16xf32>
      %lt3A = arith.constant 15 : i32
      %lt3A_53 = vector.broadcast %lt3A : i32 to vector<16xi32>
      %lt3A_54 = arith.cmpi slt, %iota3A, %lt3A_53 : vector<16xi32>
      %get3A_55 = arith.constant 16 : index
      %get3A_56 = tpu.vector_load %arg11[%get3A_55] {strides = array<i32>} : memref<32xf32, #tpu.memory_space<vmem>>, vector<16xf32>,
      %abs3A_57 = math.absf %get3A_56 : vector<16xf32>
      %add3A_58 = arith.constant 9.99999971E-10 : f32
      %add3A_59 = vector.broadcast %add3A_58 : f32 to vector<16xf32>
      %add3A_60 = arith.addf %abs3A_57, %add3A_59 : vector<16xf32>
      %jit3A = arith.constant 0.000000e+00 : f32
      %broadcast_in_dim3A_61 = vector.broadcast %jit3A : f32 to vector<16xf32>
      %select_n3A = arith.select %lt3A_54, %add3A_60, %broadcast_in_dim3A_61 : vector<16xi1>, vector<16xf32>
      %broadcast_in_dim3A_62 = arith.constant true
      %broadcast_in_dim3A_63 = vector.broadcast %broadcast_in_dim3A_62 : i1 to vector<16xi1>
      %masked_cumsum3A = tpu.scan <sum>, %add3A_52 masked %broadcast_in_dim3A_63 : vector<16xf32>, vector<16xi1> -> vector<16xf32>
      %broadcast_in_dim3A_64 = arith.constant true
      %broadcast_in_dim3A_65 = vector.broadcast %broadcast_in_dim3A_64 : i1 to vector<16xi1>
      %masked_cumsum3A_66 = tpu.scan <sum>, %select_n3A masked %broadcast_in_dim3A_65 : vector<16xf32>, vector<16xi1> -> vector<16xf32>
      %broadcast_in_dim3A_67 = arith.constant 15 : i32
      %broadcast_in_dim3A_68 = vector.broadcast %broadcast_in_dim3A_67 : i32 to vector<16xi32>
      %swap3A = arith.constant 0 : index
      %swap3A_69 = tpu.vector_load %arg15[%swap3A] {strides = array<i32>} : memref<16xf32, #tpu.memory_space<vmem>>, vector<16xf32>,
      tpu.vector_store %arg15[%swap3A], %masked_cumsum3A {strides = array<i32>} : memref<16xf32, #tpu.memory_space<vmem>>, vector<16xf32>,
      %gather3A_70 = tpu.vector_load_idx %arg15[%broadcast_in_dim3A_68] : memref<16xf32, #tpu.memory_space<vmem>>[vector<16xi32>], vector<16xf32>,
      %swap3A_71 = arith.constant 0 : index
      %swap3A_72 = tpu.vector_load %arg15[%swap3A_71] {strides = array<i32>} : memref<16xf32, #tpu.memory_space<vmem>>, vector<16xf32>,
      tpu.vector_store %arg15[%swap3A_71], %masked_cumsum3A_66 {strides = array<i32>} : memref<16xf32, #tpu.memory_space<vmem>>, vector<16xf32>,
      %gather3A_73 = tpu.vector_load_idx %arg15[%broadcast_in_dim3A_68] : memref<16xf32, #tpu.memory_space<vmem>>[vector<16xi32>], vector<16xf32>,
      %add3A_74 = arith.addf %gather3A_70, %gather3A_73 : vector<16xf32>
      %div3A_75 = arith.constant 1.000000e+00 : f32
      %div3A_76 = vector.broadcast %div3A_75 : f32 to vector<16xf32>
      %div3A_77 = arith.divf %div3A_76, %add3A_74 : vector<16xf32>
      %mul3A_78 = arith.mulf %masked_cumsum3A, %div3A_77 : vector<16xf32>
      %add3A_79 = arith.addf %masked_cumsum3A_66, %gather3A_70 : vector<16xf32>
      %mul3A_80 = arith.mulf %add3A_79, %div3A_77 : vector<16xf32>
      %broadcast_in_dim3A_81 = arith.constant 0.000000e+00 : f32
      %broadcast_in_dim3A_82 = vector.broadcast %broadcast_in_dim3A_81 : f32 to vector<16xf32>
      %swap3A_83 = arith.constant 0 : index
      %swap3A_84 = tpu.vector_load %arg12[%swap3A_83] {strides = array<i32>} : memref<48xf32, #tpu.memory_space<vmem>>, vector<16xf32>,
      tpu.vector_store %arg12[%swap3A_83], %broadcast_in_dim3A_82 {strides = array<i32>} : memref<48xf32, #tpu.memory_space<vmem>>, vector<16xf32>,
      %add3A_85 = arith.constant 1 : i32
      %add3A_86 = vector.broadcast %add3A_85 : i32 to vector<16xi32>
      %add3A_87 = arith.addi %iota3A, %add3A_86 : vector<16xi32>
      tpu.vector_store_idx %arg12[%add3A_87], %mul3A_78 : memref<48xf32, #tpu.memory_space<vmem>>[vector<16xi32>], vector<16xf32>,
      %add3A_88 = arith.constant 17 : i32
      %add3A_89 = vector.broadcast %add3A_88 : i32 to vector<16xi32>
      %add3A_90 = arith.addi %iota3A, %add3A_89 : vector<16xi32>
      tpu.vector_store_idx %arg12[%add3A_90], %mul3A_80 : memref<48xf32, #tpu.memory_space<vmem>>[vector<16xi32>], vector<16xf32>,
      %get3A_91 = arith.constant 0 : index
      %get3A_92 = tpu.vector_load %arg10[%get3A_91] {strides = array<i32>} : memref<48xf32, #tpu.memory_space<vmem>>, vector<16xf32>,
      %add3A_93 = arith.constant 1 : i32
      %add3A_94 = vector.broadcast %add3A_93 : i32 to vector<16xi32>
      %add3A_95 = arith.addi %iota3A, %add3A_94 : vector<16xi32>
      %gather3A_96 = tpu.vector_load_idx %arg10[%add3A_95] : memref<48xf32, #tpu.memory_space<vmem>>[vector<16xi32>], vector<16xf32>,
      %get3A_97 = arith.constant 0 : index
      %get3A_98 = tpu.vector_load %arg12[%get3A_97] {strides = array<i32>} : memref<48xf32, #tpu.memory_space<vmem>>, vector<16xf32>,
      %add3A_99 = arith.constant 1 : i32
      %add3A_100 = vector.broadcast %add3A_99 : i32 to vector<16xi32>
      %add3A_101 = arith.addi %iota3A, %add3A_100 : vector<16xi32>
      %gather3A_102 = tpu.vector_load_idx %arg12[%add3A_101] : memref<48xf32, #tpu.memory_space<vmem>>[vector<16xi32>], vector<16xf32>,
      %sub3A_103 = arith.subf %gather3A_102, %get3A_98 : vector<16xf32>
      %sub3A_104 = arith.subf %gather3A_96, %get3A_92 : vector<16xf32>
      %add3A_105 = arith.constant 1.000000e-07 : f32
      %add3A_106 = vector.broadcast %add3A_105 : f32 to vector<16xf32>
      %add3A_107 = arith.addf %sub3A_104, %add3A_106 : vector<16xf32>
      %div3A_108 = arith.divf %sub3A_103, %add3A_107 : vector<16xf32>
      %mul3A_109 = arith.mulf %div3A_108, %div3A_33 : vector<16xf32>
      %mul3A_110 = arith.mulf %mul3A_109, %gather3A_31 : vector<16xf32>
      %swap3A_111 = arith.constant 0 : index
      %swap3A_112 = tpu.vector_load %arg13[%swap3A_111] {strides = array<i32>} : memref<32xf32, #tpu.memory_space<vmem>>, vector<16xf32>,
      tpu.vector_store %arg13[%swap3A_111], %mul3A_110 {strides = array<i32>} : memref<32xf32, #tpu.memory_space<vmem>>, vector<16xf32>,
      %mul3A_113 = arith.mulf %gather3A, %div3A_33 : vector<16xf32>
      %add3A_114 = arith.addf %get3A_92, %mul3A_113 : vector<16xf32>
      %mul3A_115 = arith.mulf %add3A_114, %div3A_108 : vector<16xf32>
      %sub3A_116 = arith.subf %get3A_98, %mul3A_115 : vector<16xf32>
      %sub3A_117 = arith.constant 5.000000e-01 : f32
      %sub3A_118 = vector.broadcast %sub3A_117 : f32 to vector<16xf32>
      %sub3A_119 = arith.subf %sub3A_116, %sub3A_118 : vector<16xf32>
      %mul3A_120 = arith.mulf %sub3A_119, %gather3A_31 : vector<16xf32>
      %swap3A_121 = arith.constant 0 : index
      %swap3A_122 = tpu.vector_load %arg14[%swap3A_121] {strides = array<i32>} : memref<32xf32, #tpu.memory_space<vmem>>, vector<16xf32>,
      tpu.vector_store %arg14[%swap3A_121], %mul3A_120 {strides = array<i32>} : memref<32xf32, #tpu.memory_space<vmem>>, vector<16xf32>,
      %get3A_123 = arith.constant 16 : index
      %get3A_124 = tpu.vector_load %arg10[%get3A_123] {strides = array<i32>} : memref<48xf32, #tpu.memory_space<vmem>>, vector<16xf32>,
      %add3A_125 = arith.constant 17 : i32
      %add3A_126 = vector.broadcast %add3A_125 : i32 to vector<16xi32>
      %add3A_127 = arith.addi %iota3A, %add3A_126 : vector<16xi32>
      %gather3A_128 = tpu.vector_load_idx %arg10[%add3A_127] : memref<48xf32, #tpu.memory_space<vmem>>[vector<16xi32>], vector<16xf32>,
      %get3A_129 = arith.constant 16 : index
      %get3A_130 = tpu.vector_load %arg12[%get3A_129] {strides = array<i32>} : memref<48xf32, #tpu.memory_space<vmem>>, vector<16xf32>,
      %add3A_131 = arith.constant 17 : i32
      %add3A_132 = vector.broadcast %add3A_131 : i32 to vector<16xi32>
      %add3A_133 = arith.addi %iota3A, %add3A_132 : vector<16xi32>
      %gather3A_134 = tpu.vector_load_idx %arg12[%add3A_133] : memref<48xf32, #tpu.memory_space<vmem>>[vector<16xi32>], vector<16xf32>,
      %sub3A_135 = arith.subf %gather3A_134, %get3A_130 : vector<16xf32>
      %sub3A_136 = arith.subf %gather3A_128, %get3A_124 : vector<16xf32>
      %add3A_137 = arith.constant 1.000000e-07 : f32
      %add3A_138 = vector.broadcast %add3A_137 : f32 to vector<16xf32>
      %add3A_139 = arith.addf %sub3A_136, %add3A_138 : vector<16xf32>
      %div3A_140 = arith.divf %sub3A_135, %add3A_139 : vector<16xf32>
      %mul3A_141 = arith.mulf %div3A_140, %div3A_33 : vector<16xf32>
      %mul3A_142 = arith.mulf %mul3A_141, %gather3A_31 : vector<16xf32>
      %swap3A_143 = arith.constant 16 : index
      %swap3A_144 = tpu.vector_load %arg13[%swap3A_143] {strides = array<i32>} : memref<32xf32, #tpu.memory_space<vmem>>, vector<16xf32>,
      tpu.vector_store %arg13[%swap3A_143], %mul3A_142 {strides = array<i32>} : memref<32xf32, #tpu.memory_space<vmem>>, vector<16xf32>,
      %mul3A_145 = arith.mulf %gather3A, %div3A_33 : vector<16xf32>
      %add3A_146 = arith.addf %get3A_124, %mul3A_145 : vector<16xf32>
      %mul3A_147 = arith.mulf %add3A_146, %div3A_140 : vector<16xf32>
      %sub3A_148 = arith.subf %get3A_130, %mul3A_147 : vector<16xf32>
      %sub3A_149 = arith.constant 5.000000e-01 : f32
      %sub3A_150 = vector.broadcast %sub3A_149 : f32 to vector<16xf32>
      %sub3A_151 = arith.subf %sub3A_148, %sub3A_150 : vector<16xf32>
      %mul3A_152 = arith.mulf %sub3A_151, %gather3A_31 : vector<16xf32>
      %swap3A_153 = arith.constant 16 : index
      %swap3A_154 = tpu.vector_load %arg14[%swap3A_153] {strides = array<i32>} : memref<32xf32, #tpu.memory_space<vmem>>, vector<16xf32>,
      tpu.vector_store %arg14[%swap3A_153], %mul3A_152 {strides = array<i32>} : memref<32xf32, #tpu.memory_space<vmem>>, vector<16xf32>,
      %add3A_155 = arith.addf %gather3A, %gather3A_25 : vector<16xf32>
      %mul3A_156 = arith.constant 3.100000e+01 : f32
      %mul3A_157 = vector.broadcast %mul3A_156 : f32 to vector<16xf32>
      %mul3A_158 = arith.mulf %div3A_33, %mul3A_157 : vector<16xf32>
      %dma_wait3A = arith.constant 0 : i32
      %dma_wait3A_159 = tpu.memref_slice %arg7[%dma_wait3A] : memref<31264xf32, #tpu.memory_space<vmem>> -> memref<15632xf32, #tpu.memory_space<vmem>>
      %dma_wait3A_160 = tpu.memref_slice %arg2[%mul3A_8] : memref<1000000xf32, #tpu.memory_space<hbm>> -> memref<15632xf32, #tpu.memory_space<hbm>>
      %dma_wait3A_161 = arith.constant 0 : i32
      %dma_wait3A_162 = tpu.memref_slice %arg7[%dma_wait3A_161] : memref<31264xf32, #tpu.memory_space<vmem>> -> memref<15632xf32, #tpu.memory_space<vmem>>
      %dma_wait3A_163 = tpu.memref_slice %arg2[%mul3A_8] : memref<1000000xf32, #tpu.memory_space<hbm>> -> memref<15632xf32, #tpu.memory_space<hbm>>
      tpu.wait_dma2 semaphore(%arg16 : memref<!tpu.dma_semaphore, #tpu.memory_space<semaphore_mem>>) src(%dma_wait3A_163 : memref<15632xf32, #tpu.memory_space<hbm>>) dst(%dma_wait3A_162 : memref<15632xf32, #tpu.memory_space<vmem>>)
      %parallel_loop3A = arith.constant 0 : i32
      %parallel_loop3A_164 = arith.constant 15632 : i32
      %parallel_loop3A_165 = arith.constant 16 : i32
      scf.for %parallel_loop3A_201 = %parallel_loop3A to %parallel_loop3A_164 step %parallel_loop3A_165  : i32 {
        %parallel_loop3A_202 = arith.index_cast %parallel_loop3A_201 : i32 to index
        %parallel_loop3A_203 = tpu.vector_load %arg7[%parallel_loop3A_202] {strides = array<i32>} : memref<31264xf32, #tpu.memory_space<vmem>>, vector<16xf32>,
        %parallel_loop3A_204 = arith.maximumf %parallel_loop3A_203, %gather3A : vector<16xf32>
        %parallel_loop3A_205 = arith.minimumf %parallel_loop3A_204, %add3A_155 : vector<16xf32>
        %parallel_loop3A_206 = arith.subf %parallel_loop3A_205, %gather3A : vector<16xf32>
        %parallel_loop3A_207 = arith.mulf %parallel_loop3A_206, %mul3A_158 : vector<16xf32>
        %parallel_loop3A_208 = arith.fptosi %parallel_loop3A_207 : vector<16xf32> to vector<16xi32>
        %parallel_loop3A_209 = arith.constant 30 : i32
        %parallel_loop3A_210 = vector.broadcast %parallel_loop3A_209 : i32 to vector<16xi32>
        %parallel_loop3A_211 = arith.minsi %parallel_loop3A_208, %parallel_loop3A_210 : vector<16xi32>
        %parallel_loop3A_212 = tpu.vector_load_idx %arg13[%parallel_loop3A_211] : memref<32xf32, #tpu.memory_space<vmem>>[vector<16xi32>], vector<16xf32>,
        %parallel_loop3A_213 = tpu.vector_load_idx %arg14[%parallel_loop3A_211] : memref<32xf32, #tpu.memory_space<vmem>>[vector<16xi32>], vector<16xf32>,
        %parallel_loop3A_214 = arith.mulf %parallel_loop3A_205, %parallel_loop3A_212 : vector<16xf32>
        %parallel_loop3A_215 = arith.addf %parallel_loop3A_213, %parallel_loop3A_214 : vector<16xf32>
        %parallel_loop3A_216 = arith.constant 1.111000e+01 : f32
        %parallel_loop3A_217 = vector.broadcast %parallel_loop3A_216 : f32 to vector<16xf32>
        %parallel_loop3A_218 = arith.cmpf oeq, %parallel_loop3A_203, %parallel_loop3A_217 : vector<16xf32>
        %parallel_loop3A_219 = arith.select %parallel_loop3A_218, %mul3A_48, %parallel_loop3A_215 : vector<16xi1>, vector<16xf32>
        %parallel_loop3A_220 = arith.index_cast %parallel_loop3A_201 : i32 to index
        %parallel_loop3A_221 = tpu.vector_load %arg8[%parallel_loop3A_220] {strides = array<i32>} : memref<31264xf32, #tpu.memory_space<vmem>>, vector<16xf32>,
        tpu.vector_store %arg8[%parallel_loop3A_220], %parallel_loop3A_219 {strides = array<i32>} : memref<31264xf32, #tpu.memory_space<vmem>>, vector<16xf32>,
      } {sc.loop_unroll_factor = 8 : i64, sc.parallel_access}
      %dma_start3A_166 = arith.constant 0 : i32
      %dma_start3A_167 = tpu.memref_slice %arg8[%dma_start3A_166] : memref<31264xf32, #tpu.memory_space<vmem>> -> memref<15632xf32, #tpu.memory_space<vmem>>
      %dma_start3A_168 = tpu.memref_slice %arg6[%mul3A_8] : memref<1000000xf32, #tpu.memory_space<hbm>> -> memref<15632xf32, #tpu.memory_space<hbm>>
      %dma_start3A_169 = tpu.memref_slice %arg6[%mul3A_8] : memref<1000000xf32, #tpu.memory_space<hbm>> -> memref<15632xf32, #tpu.memory_space<hbm>>
      %dma_start3A_170 = arith.constant 0 : i32
      %dma_start3A_171 = tpu.memref_slice %arg8[%dma_start3A_170] : memref<31264xf32, #tpu.memory_space<vmem>> -> memref<15632xf32, #tpu.memory_space<vmem>>
      tpu.enqueue_dma source(%dma_start3A_171 : memref<15632xf32, #tpu.memory_space<vmem>>) target(%dma_start3A_169 : memref<15632xf32, #tpu.memory_space<hbm>>) target_semaphore(%arg18 : memref<!tpu.dma_semaphore, #tpu.memory_space<semaphore_mem>>)
      %dma_wait3A_172 = arith.constant 15632 : i32
      %dma_wait3A_173 = tpu.memref_slice %arg7[%dma_wait3A_172] : memref<31264xf32, #tpu.memory_space<vmem>> -> memref<15632xf32, #tpu.memory_space<vmem>>
      %dma_wait3A_174 = tpu.memref_slice %arg2[%add3A_15] : memref<1000000xf32, #tpu.memory_space<hbm>> -> memref<15632xf32, #tpu.memory_space<hbm>>
      %dma_wait3A_175 = arith.constant 15632 : i32
      %dma_wait3A_176 = tpu.memref_slice %arg7[%dma_wait3A_175] : memref<31264xf32, #tpu.memory_space<vmem>> -> memref<15632xf32, #tpu.memory_space<vmem>>
      %dma_wait3A_177 = tpu.memref_slice %arg2[%add3A_15] : memref<1000000xf32, #tpu.memory_space<hbm>> -> memref<15632xf32, #tpu.memory_space<hbm>>
      tpu.wait_dma2 semaphore(%arg17 : memref<!tpu.dma_semaphore, #tpu.memory_space<semaphore_mem>>) src(%dma_wait3A_177 : memref<15632xf32, #tpu.memory_space<hbm>>) dst(%dma_wait3A_176 : memref<15632xf32, #tpu.memory_space<vmem>>)
      %parallel_loop3A_178 = arith.constant 15632 : i32
      %parallel_loop3A_179 = arith.constant 31264 : i32
      %parallel_loop3A_180 = arith.constant 16 : i32
      scf.for %parallel_loop3A_201 = %parallel_loop3A_178 to %parallel_loop3A_179 step %parallel_loop3A_180  : i32 {
        %parallel_loop3A_202 = arith.index_cast %parallel_loop3A_201 : i32 to index
        %parallel_loop3A_203 = tpu.vector_load %arg7[%parallel_loop3A_202] {strides = array<i32>} : memref<31264xf32, #tpu.memory_space<vmem>>, vector<16xf32>,
        %parallel_loop3A_204 = arith.maximumf %parallel_loop3A_203, %gather3A : vector<16xf32>
        %parallel_loop3A_205 = arith.minimumf %parallel_loop3A_204, %add3A_155 : vector<16xf32>
        %parallel_loop3A_206 = arith.subf %parallel_loop3A_205, %gather3A : vector<16xf32>
        %parallel_loop3A_207 = arith.mulf %parallel_loop3A_206, %mul3A_158 : vector<16xf32>
        %parallel_loop3A_208 = arith.fptosi %parallel_loop3A_207 : vector<16xf32> to vector<16xi32>
        %parallel_loop3A_209 = arith.constant 30 : i32
        %parallel_loop3A_210 = vector.broadcast %parallel_loop3A_209 : i32 to vector<16xi32>
        %parallel_loop3A_211 = arith.minsi %parallel_loop3A_208, %parallel_loop3A_210 : vector<16xi32>
        %parallel_loop3A_212 = tpu.vector_load_idx %arg13[%parallel_loop3A_211] : memref<32xf32, #tpu.memory_space<vmem>>[vector<16xi32>], vector<16xf32>,
        %parallel_loop3A_213 = tpu.vector_load_idx %arg14[%parallel_loop3A_211] : memref<32xf32, #tpu.memory_space<vmem>>[vector<16xi32>], vector<16xf32>,
        %parallel_loop3A_214 = arith.mulf %parallel_loop3A_205, %parallel_loop3A_212 : vector<16xf32>
        %parallel_loop3A_215 = arith.addf %parallel_loop3A_213, %parallel_loop3A_214 : vector<16xf32>
        %parallel_loop3A_216 = arith.constant 1.111000e+01 : f32
        %parallel_loop3A_217 = vector.broadcast %parallel_loop3A_216 : f32 to vector<16xf32>
        %parallel_loop3A_218 = arith.cmpf oeq, %parallel_loop3A_203, %parallel_loop3A_217 : vector<16xf32>
        %parallel_loop3A_219 = arith.select %parallel_loop3A_218, %mul3A_48, %parallel_loop3A_215 : vector<16xi1>, vector<16xf32>
        %parallel_loop3A_220 = arith.index_cast %parallel_loop3A_201 : i32 to index
        %parallel_loop3A_221 = tpu.vector_load %arg8[%parallel_loop3A_220] {strides = array<i32>} : memref<31264xf32, #tpu.memory_space<vmem>>, vector<16xf32>,
        tpu.vector_store %arg8[%parallel_loop3A_220], %parallel_loop3A_219 {strides = array<i32>} : memref<31264xf32, #tpu.memory_space<vmem>>, vector<16xf32>,
      } {sc.loop_unroll_factor = 8 : i64, sc.parallel_access}
      %add3A_181 = arith.constant 15632 : i32
      %add3A_182 = arith.addi %mul3A_8, %add3A_181 : i32
      %dma_start3A_183 = arith.constant 15632 : i32
      %dma_start3A_184 = tpu.memref_slice %arg8[%dma_start3A_183] : memref<31264xf32, #tpu.memory_space<vmem>> -> memref<15632xf32, #tpu.memory_space<vmem>>
      %dma_start3A_185 = tpu.memref_slice %arg6[%add3A_182] : memref<1000000xf32, #tpu.memory_space<hbm>> -> memref<15632xf32, #tpu.memory_space<hbm>>
      %dma_start3A_186 = tpu.memref_slice %arg6[%add3A_182] : memref<1000000xf32, #tpu.memory_space<hbm>> -> memref<15632xf32, #tpu.memory_space<hbm>>
      %dma_start3A_187 = arith.constant 15632 : i32
      %dma_start3A_188 = tpu.memref_slice %arg8[%dma_start3A_187] : memref<31264xf32, #tpu.memory_space<vmem>> -> memref<15632xf32, #tpu.memory_space<vmem>>
      tpu.enqueue_dma source(%dma_start3A_188 : memref<15632xf32, #tpu.memory_space<vmem>>) target(%dma_start3A_186 : memref<15632xf32, #tpu.memory_space<hbm>>) target_semaphore(%arg19 : memref<!tpu.dma_semaphore, #tpu.memory_space<semaphore_mem>>)
      %dma_wait3A_189 = arith.constant 0 : i32
      %dma_wait3A_190 = tpu.memref_slice %arg8[%dma_wait3A_189] : memref<31264xf32, #tpu.memory_space<vmem>> -> memref<15632xf32, #tpu.memory_space<vmem>>
      %dma_wait3A_191 = tpu.memref_slice %arg6[%mul3A_8] : memref<1000000xf32, #tpu.memory_space<hbm>> -> memref<15632xf32, #tpu.memory_space<hbm>>
      %dma_wait3A_192 = tpu.memref_slice %arg6[%mul3A_8] : memref<1000000xf32, #tpu.memory_space<hbm>> -> memref<15632xf32, #tpu.memory_space<hbm>>
      %dma_wait3A_193 = arith.constant 0 : i32
      %dma_wait3A_194 = tpu.memref_slice %arg8[%dma_wait3A_193] : memref<31264xf32, #tpu.memory_space<vmem>> -> memref<15632xf32, #tpu.memory_space<vmem>>
      tpu.wait_dma2 semaphore(%arg18 : memref<!tpu.dma_semaphore, #tpu.memory_space<semaphore_mem>>) src(%dma_wait3A_194 : memref<15632xf32, #tpu.memory_space<vmem>>) dst(%dma_wait3A_192 : memref<15632xf32, #tpu.memory_space<hbm>>)
      %dma_wait3A_195 = arith.constant 15632 : i32
      %dma_wait3A_196 = tpu.memref_slice %arg8[%dma_wait3A_195] : memref<31264xf32, #tpu.memory_space<vmem>> -> memref<15632xf32, #tpu.memory_space<vmem>>
      %dma_wait3A_197 = tpu.memref_slice %arg6[%add3A_182] : memref<1000000xf32, #tpu.memory_space<hbm>> -> memref<15632xf32, #tpu.memory_space<hbm>>
      %dma_wait3A_198 = tpu.memref_slice %arg6[%add3A_182] : memref<1000000xf32, #tpu.memory_space<hbm>> -> memref<15632xf32, #tpu.memory_space<hbm>>
      %dma_wait3A_199 = arith.constant 15632 : i32
      %dma_wait3A_200 = tpu.memref_slice %arg8[%dma_wait3A_199] : memref<31264xf32, #tpu.memory_space<vmem>> -> memref<15632xf32, #tpu.memory_space<vmem>>
      tpu.wait_dma2 semaphore(%arg19 : memref<!tpu.dma_semaphore, #tpu.memory_space<semaphore_mem>>) src(%dma_wait3A_200 : memref<15632xf32, #tpu.memory_space<vmem>>) dst(%dma_wait3A_198 : memref<15632xf32, #tpu.memory_space<hbm>>)
    } else {
    }
    %convert_element_type3A_4 = arith.extui %eq3A_1 : i1 to i32
    %cond3A_5 = arith.constant 0 : i32
    %cond3A_6 = arith.cmpi ne, %convert_element_type3A_4, %cond3A_5 : i32
    scf.if %cond3A_6 {
      %dma_start3A = arith.constant 0 : i32
      %dma_start3A_7 = tpu.memref_slice %arg7[%dma_start3A] : memref<31264xf32, #tpu.memory_space<vmem>> -> memref<15408xf32, #tpu.memory_space<vmem>>
      %dma_start3A_8 = arith.constant 969184 : i32
      %dma_start3A_9 = tpu.memref_slice %arg2[%dma_start3A_8] : memref<1000000xf32, #tpu.memory_space<hbm>> -> memref<15408xf32, #tpu.memory_space<hbm>>
      %dma_start3A_10 = arith.constant 0 : i32
      %dma_start3A_11 = tpu.memref_slice %arg7[%dma_start3A_10] : memref<31264xf32, #tpu.memory_space<vmem>> -> memref<15408xf32, #tpu.memory_space<vmem>>
      %dma_start3A_12 = arith.constant 969184 : i32
      %dma_start3A_13 = tpu.memref_slice %arg2[%dma_start3A_12] : memref<1000000xf32, #tpu.memory_space<hbm>> -> memref<15408xf32, #tpu.memory_space<hbm>>
      tpu.enqueue_dma source(%dma_start3A_13 : memref<15408xf32, #tpu.memory_space<hbm>>) target(%dma_start3A_11 : memref<15408xf32, #tpu.memory_space<vmem>>) target_semaphore(%arg16 : memref<!tpu.dma_semaphore, #tpu.memory_space<semaphore_mem>>)
      %dma_start3A_14 = arith.constant 15408 : i32
      %dma_start3A_15 = tpu.memref_slice %arg7[%dma_start3A_14] : memref<31264xf32, #tpu.memory_space<vmem>> -> memref<15408xf32, #tpu.memory_space<vmem>>
      %dma_start3A_16 = arith.constant 984592 : i32
      %dma_start3A_17 = tpu.memref_slice %arg2[%dma_start3A_16] : memref<1000000xf32, #tpu.memory_space<hbm>> -> memref<15408xf32, #tpu.memory_space<hbm>>
      %dma_start3A_18 = arith.constant 15408 : i32
      %dma_start3A_19 = tpu.memref_slice %arg7[%dma_start3A_18] : memref<31264xf32, #tpu.memory_space<vmem>> -> memref<15408xf32, #tpu.memory_space<vmem>>
      %dma_start3A_20 = arith.constant 984592 : i32
      %dma_start3A_21 = tpu.memref_slice %arg2[%dma_start3A_20] : memref<1000000xf32, #tpu.memory_space<hbm>> -> memref<15408xf32, #tpu.memory_space<hbm>>
      tpu.enqueue_dma source(%dma_start3A_21 : memref<15408xf32, #tpu.memory_space<hbm>>) target(%dma_start3A_19 : memref<15408xf32, #tpu.memory_space<vmem>>) target_semaphore(%arg17 : memref<!tpu.dma_semaphore, #tpu.memory_space<semaphore_mem>>)
      "tpu.region"() ({
        %run_scoped3A = tpu.sem_alloc : memref<!tpu.dma_semaphore, #tpu.memory_space<semaphore_mem>>
        tpu.enqueue_dma source(%arg5 : memref<16xf32, #tpu.memory_space<hbm>>) target(%arg9 : memref<16xf32, #tpu.memory_space<vmem>>) target_semaphore(%run_scoped3A : memref<!tpu.dma_semaphore, #tpu.memory_space<semaphore_mem>>)
        tpu.wait_dma2 semaphore(%run_scoped3A : memref<!tpu.dma_semaphore, #tpu.memory_space<semaphore_mem>>) src(%arg5 : memref<16xf32, #tpu.memory_space<hbm>>) dst(%arg9 : memref<16xf32, #tpu.memory_space<vmem>>)
        tpu.yield
      }) : () -> ()
      "tpu.region"() ({
        %run_scoped3A = tpu.sem_alloc : memref<!tpu.dma_semaphore, #tpu.memory_space<semaphore_mem>>
        %dma_start3A_211 = arith.constant 0 : i32
        %dma_start3A_212 = tpu.memref_slice %arg10[%dma_start3A_211] : memref<48xf32, #tpu.memory_space<vmem>> -> memref<32xf32, #tpu.memory_space<vmem>>
        %dma_start3A_213 = arith.constant 0 : i32
        %dma_start3A_214 = tpu.memref_slice %arg10[%dma_start3A_213] : memref<48xf32, #tpu.memory_space<vmem>> -> memref<32xf32, #tpu.memory_space<vmem>>
        tpu.enqueue_dma source(%arg4 : memref<32xf32, #tpu.memory_space<hbm>>) target(%dma_start3A_214 : memref<32xf32, #tpu.memory_space<vmem>>) target_semaphore(%run_scoped3A : memref<!tpu.dma_semaphore, #tpu.memory_space<semaphore_mem>>)
        %dma_wait3A_215 = arith.constant 0 : i32
        %dma_wait3A_216 = tpu.memref_slice %arg10[%dma_wait3A_215] : memref<48xf32, #tpu.memory_space<vmem>> -> memref<32xf32, #tpu.memory_space<vmem>>
        %dma_wait3A_217 = arith.constant 0 : i32
        %dma_wait3A_218 = tpu.memref_slice %arg10[%dma_wait3A_217] : memref<48xf32, #tpu.memory_space<vmem>> -> memref<32xf32, #tpu.memory_space<vmem>>
        tpu.wait_dma2 semaphore(%run_scoped3A : memref<!tpu.dma_semaphore, #tpu.memory_space<semaphore_mem>>) src(%arg4 : memref<32xf32, #tpu.memory_space<hbm>>) dst(%dma_wait3A_218 : memref<32xf32, #tpu.memory_space<vmem>>)
        tpu.yield
      }) : () -> ()
      "tpu.region"() ({
        %run_scoped3A = tpu.sem_alloc : memref<!tpu.dma_semaphore, #tpu.memory_space<semaphore_mem>>
        tpu.enqueue_dma source(%arg3 : memref<32xf32, #tpu.memory_space<hbm>>) target(%arg11 : memref<32xf32, #tpu.memory_space<vmem>>) target_semaphore(%run_scoped3A : memref<!tpu.dma_semaphore, #tpu.memory_space<semaphore_mem>>)
        tpu.wait_dma2 semaphore(%run_scoped3A : memref<!tpu.dma_semaphore, #tpu.memory_space<semaphore_mem>>) src(%arg3 : memref<32xf32, #tpu.memory_space<hbm>>) dst(%arg11 : memref<32xf32, #tpu.memory_space<vmem>>)
        tpu.yield
      }) : () -> ()
      %iota3A = tpu.iota {dimensions = array<i32: 0>} : vector<16xi32>
      %broadcast_in_dim3A = arith.constant 1 : i32
      %broadcast_in_dim3A_22 = vector.broadcast %broadcast_in_dim3A : i32 to vector<16xi32>
      %gather3A = tpu.vector_load_idx %arg9[%broadcast_in_dim3A_22] : memref<16xf32, #tpu.memory_space<vmem>>[vector<16xi32>], vector<16xf32>,
      %broadcast_in_dim3A_23 = arith.constant 2 : i32
      %broadcast_in_dim3A_24 = vector.broadcast %broadcast_in_dim3A_23 : i32 to vector<16xi32>
      %gather3A_25 = tpu.vector_load_idx %arg9[%broadcast_in_dim3A_24] : memref<16xf32, #tpu.memory_space<vmem>>[vector<16xi32>], vector<16xf32>,
      %broadcast_in_dim3A_26 = arith.constant 3 : i32
      %broadcast_in_dim3A_27 = vector.broadcast %broadcast_in_dim3A_26 : i32 to vector<16xi32>
      %gather3A_28 = tpu.vector_load_idx %arg9[%broadcast_in_dim3A_27] : memref<16xf32, #tpu.memory_space<vmem>>[vector<16xi32>], vector<16xf32>,
      %broadcast_in_dim3A_29 = arith.constant 4 : i32
      %broadcast_in_dim3A_30 = vector.broadcast %broadcast_in_dim3A_29 : i32 to vector<16xi32>
      %gather3A_31 = tpu.vector_load_idx %arg9[%broadcast_in_dim3A_30] : memref<16xf32, #tpu.memory_space<vmem>>[vector<16xi32>], vector<16xf32>,
      %div3A = arith.constant 1.000000e+00 : f32
      %div3A_32 = vector.broadcast %div3A : f32 to vector<16xf32>
      %div3A_33 = arith.divf %div3A_32, %gather3A_25 : vector<16xf32>
      %mul3A_34 = arith.constant 2.000000e+00 : f32
      %mul3A_35 = vector.broadcast %mul3A_34 : f32 to vector<16xf32>
      %mul3A_36 = arith.mulf %mul3A_35, %gather3A_28 : vector<16xf32>
      %exp3A = math.exp %mul3A_36 : vector<16xf32>
      %add3A_37 = arith.constant 1.000000e+00 : f32
      %add3A_38 = vector.broadcast %add3A_37 : f32 to vector<16xf32>
      %add3A_39 = arith.addf %exp3A, %add3A_38 : vector<16xf32>
      %div3A_40 = arith.constant 2.000000e+00 : f32
      %div3A_41 = vector.broadcast %div3A_40 : f32 to vector<16xf32>
      %div3A_42 = arith.divf %div3A_41, %add3A_39 : vector<16xf32>
      %sub3A = arith.constant 1.000000e+00 : f32
      %sub3A_43 = vector.broadcast %sub3A : f32 to vector<16xf32>
      %sub3A_44 = arith.subf %sub3A_43, %div3A_42 : vector<16xf32>
      %mul3A_45 = arith.constant 5.000000e-01 : f32
      %mul3A_46 = vector.broadcast %mul3A_45 : f32 to vector<16xf32>
      %mul3A_47 = arith.mulf %sub3A_44, %mul3A_46 : vector<16xf32>
      %mul3A_48 = arith.mulf %mul3A_47, %gather3A_31 : vector<16xf32>
      %get3A = arith.constant 0 : index
      %get3A_49 = tpu.vector_load %arg11[%get3A] {strides = array<i32>} : memref<32xf32, #tpu.memory_space<vmem>>, vector<16xf32>,
      %abs3A = math.absf %get3A_49 : vector<16xf32>
      %add3A_50 = arith.constant 9.99999971E-10 : f32
      %add3A_51 = vector.broadcast %add3A_50 : f32 to vector<16xf32>
      %add3A_52 = arith.addf %abs3A, %add3A_51 : vector<16xf32>
      %lt3A = arith.constant 15 : i32
      %lt3A_53 = vector.broadcast %lt3A : i32 to vector<16xi32>
      %lt3A_54 = arith.cmpi slt, %iota3A, %lt3A_53 : vector<16xi32>
      %get3A_55 = arith.constant 16 : index
      %get3A_56 = tpu.vector_load %arg11[%get3A_55] {strides = array<i32>} : memref<32xf32, #tpu.memory_space<vmem>>, vector<16xf32>,
      %abs3A_57 = math.absf %get3A_56 : vector<16xf32>
      %add3A_58 = arith.constant 9.99999971E-10 : f32
      %add3A_59 = vector.broadcast %add3A_58 : f32 to vector<16xf32>
      %add3A_60 = arith.addf %abs3A_57, %add3A_59 : vector<16xf32>
      %jit3A = arith.constant 0.000000e+00 : f32
      %broadcast_in_dim3A_61 = vector.broadcast %jit3A : f32 to vector<16xf32>
      %select_n3A = arith.select %lt3A_54, %add3A_60, %broadcast_in_dim3A_61 : vector<16xi1>, vector<16xf32>
      %broadcast_in_dim3A_62 = arith.constant true
      %broadcast_in_dim3A_63 = vector.broadcast %broadcast_in_dim3A_62 : i1 to vector<16xi1>
      %masked_cumsum3A = tpu.scan <sum>, %add3A_52 masked %broadcast_in_dim3A_63 : vector<16xf32>, vector<16xi1> -> vector<16xf32>
      %broadcast_in_dim3A_64 = arith.constant true
      %broadcast_in_dim3A_65 = vector.broadcast %broadcast_in_dim3A_64 : i1 to vector<16xi1>
      %masked_cumsum3A_66 = tpu.scan <sum>, %select_n3A masked %broadcast_in_dim3A_65 : vector<16xf32>, vector<16xi1> -> vector<16xf32>
      %broadcast_in_dim3A_67 = arith.constant 15 : i32
      %broadcast_in_dim3A_68 = vector.broadcast %broadcast_in_dim3A_67 : i32 to vector<16xi32>
      %swap3A = arith.constant 0 : index
      %swap3A_69 = tpu.vector_load %arg15[%swap3A] {strides = array<i32>} : memref<16xf32, #tpu.memory_space<vmem>>, vector<16xf32>,
      tpu.vector_store %arg15[%swap3A], %masked_cumsum3A {strides = array<i32>} : memref<16xf32, #tpu.memory_space<vmem>>, vector<16xf32>,
      %gather3A_70 = tpu.vector_load_idx %arg15[%broadcast_in_dim3A_68] : memref<16xf32, #tpu.memory_space<vmem>>[vector<16xi32>], vector<16xf32>,
      %swap3A_71 = arith.constant 0 : index
      %swap3A_72 = tpu.vector_load %arg15[%swap3A_71] {strides = array<i32>} : memref<16xf32, #tpu.memory_space<vmem>>, vector<16xf32>,
      tpu.vector_store %arg15[%swap3A_71], %masked_cumsum3A_66 {strides = array<i32>} : memref<16xf32, #tpu.memory_space<vmem>>, vector<16xf32>,
      %gather3A_73 = tpu.vector_load_idx %arg15[%broadcast_in_dim3A_68] : memref<16xf32, #tpu.memory_space<vmem>>[vector<16xi32>], vector<16xf32>,
      %add3A_74 = arith.addf %gather3A_70, %gather3A_73 : vector<16xf32>
      %div3A_75 = arith.constant 1.000000e+00 : f32
      %div3A_76 = vector.broadcast %div3A_75 : f32 to vector<16xf32>
      %div3A_77 = arith.divf %div3A_76, %add3A_74 : vector<16xf32>
      %mul3A_78 = arith.mulf %masked_cumsum3A, %div3A_77 : vector<16xf32>
      %add3A_79 = arith.addf %masked_cumsum3A_66, %gather3A_70 : vector<16xf32>
      %mul3A_80 = arith.mulf %add3A_79, %div3A_77 : vector<16xf32>
      %broadcast_in_dim3A_81 = arith.constant 0.000000e+00 : f32
      %broadcast_in_dim3A_82 = vector.broadcast %broadcast_in_dim3A_81 : f32 to vector<16xf32>
      %swap3A_83 = arith.constant 0 : index
      %swap3A_84 = tpu.vector_load %arg12[%swap3A_83] {strides = array<i32>} : memref<48xf32, #tpu.memory_space<vmem>>, vector<16xf32>,
      tpu.vector_store %arg12[%swap3A_83], %broadcast_in_dim3A_82 {strides = array<i32>} : memref<48xf32, #tpu.memory_space<vmem>>, vector<16xf32>,
      %add3A_85 = arith.constant 1 : i32
      %add3A_86 = vector.broadcast %add3A_85 : i32 to vector<16xi32>
      %add3A_87 = arith.addi %iota3A, %add3A_86 : vector<16xi32>
      tpu.vector_store_idx %arg12[%add3A_87], %mul3A_78 : memref<48xf32, #tpu.memory_space<vmem>>[vector<16xi32>], vector<16xf32>,
      %add3A_88 = arith.constant 17 : i32
      %add3A_89 = vector.broadcast %add3A_88 : i32 to vector<16xi32>
      %add3A_90 = arith.addi %iota3A, %add3A_89 : vector<16xi32>
      tpu.vector_store_idx %arg12[%add3A_90], %mul3A_80 : memref<48xf32, #tpu.memory_space<vmem>>[vector<16xi32>], vector<16xf32>,
      %get3A_91 = arith.constant 0 : index
      %get3A_92 = tpu.vector_load %arg10[%get3A_91] {strides = array<i32>} : memref<48xf32, #tpu.memory_space<vmem>>, vector<16xf32>,
      %add3A_93 = arith.constant 1 : i32
      %add3A_94 = vector.broadcast %add3A_93 : i32 to vector<16xi32>
      %add3A_95 = arith.addi %iota3A, %add3A_94 : vector<16xi32>
      %gather3A_96 = tpu.vector_load_idx %arg10[%add3A_95] : memref<48xf32, #tpu.memory_space<vmem>>[vector<16xi32>], vector<16xf32>,
      %get3A_97 = arith.constant 0 : index
      %get3A_98 = tpu.vector_load %arg12[%get3A_97] {strides = array<i32>} : memref<48xf32, #tpu.memory_space<vmem>>, vector<16xf32>,
      %add3A_99 = arith.constant 1 : i32
      %add3A_100 = vector.broadcast %add3A_99 : i32 to vector<16xi32>
      %add3A_101 = arith.addi %iota3A, %add3A_100 : vector<16xi32>
      %gather3A_102 = tpu.vector_load_idx %arg12[%add3A_101] : memref<48xf32, #tpu.memory_space<vmem>>[vector<16xi32>], vector<16xf32>,
      %sub3A_103 = arith.subf %gather3A_102, %get3A_98 : vector<16xf32>
      %sub3A_104 = arith.subf %gather3A_96, %get3A_92 : vector<16xf32>
      %add3A_105 = arith.constant 1.000000e-07 : f32
      %add3A_106 = vector.broadcast %add3A_105 : f32 to vector<16xf32>
      %add3A_107 = arith.addf %sub3A_104, %add3A_106 : vector<16xf32>
      %div3A_108 = arith.divf %sub3A_103, %add3A_107 : vector<16xf32>
      %mul3A_109 = arith.mulf %div3A_108, %div3A_33 : vector<16xf32>
      %mul3A_110 = arith.mulf %mul3A_109, %gather3A_31 : vector<16xf32>
      %swap3A_111 = arith.constant 0 : index
      %swap3A_112 = tpu.vector_load %arg13[%swap3A_111] {strides = array<i32>} : memref<32xf32, #tpu.memory_space<vmem>>, vector<16xf32>,
      tpu.vector_store %arg13[%swap3A_111], %mul3A_110 {strides = array<i32>} : memref<32xf32, #tpu.memory_space<vmem>>, vector<16xf32>,
      %mul3A_113 = arith.mulf %gather3A, %div3A_33 : vector<16xf32>
      %add3A_114 = arith.addf %get3A_92, %mul3A_113 : vector<16xf32>
      %mul3A_115 = arith.mulf %add3A_114, %div3A_108 : vector<16xf32>
      %sub3A_116 = arith.subf %get3A_98, %mul3A_115 : vector<16xf32>
      %sub3A_117 = arith.constant 5.000000e-01 : f32
      %sub3A_118 = vector.broadcast %sub3A_117 : f32 to vector<16xf32>
      %sub3A_119 = arith.subf %sub3A_116, %sub3A_118 : vector<16xf32>
      %mul3A_120 = arith.mulf %sub3A_119, %gather3A_31 : vector<16xf32>
      %swap3A_121 = arith.constant 0 : index
      %swap3A_122 = tpu.vector_load %arg14[%swap3A_121] {strides = array<i32>} : memref<32xf32, #tpu.memory_space<vmem>>, vector<16xf32>,
      tpu.vector_store %arg14[%swap3A_121], %mul3A_120 {strides = array<i32>} : memref<32xf32, #tpu.memory_space<vmem>>, vector<16xf32>,
      %get3A_123 = arith.constant 16 : index
      %get3A_124 = tpu.vector_load %arg10[%get3A_123] {strides = array<i32>} : memref<48xf32, #tpu.memory_space<vmem>>, vector<16xf32>,
      %add3A_125 = arith.constant 17 : i32
      %add3A_126 = vector.broadcast %add3A_125 : i32 to vector<16xi32>
      %add3A_127 = arith.addi %iota3A, %add3A_126 : vector<16xi32>
      %gather3A_128 = tpu.vector_load_idx %arg10[%add3A_127] : memref<48xf32, #tpu.memory_space<vmem>>[vector<16xi32>], vector<16xf32>,
      %get3A_129 = arith.constant 16 : index
      %get3A_130 = tpu.vector_load %arg12[%get3A_129] {strides = array<i32>} : memref<48xf32, #tpu.memory_space<vmem>>, vector<16xf32>,
      %add3A_131 = arith.constant 17 : i32
      %add3A_132 = vector.broadcast %add3A_131 : i32 to vector<16xi32>
      %add3A_133 = arith.addi %iota3A, %add3A_132 : vector<16xi32>
      %gather3A_134 = tpu.vector_load_idx %arg12[%add3A_133] : memref<48xf32, #tpu.memory_space<vmem>>[vector<16xi32>], vector<16xf32>,
      %sub3A_135 = arith.subf %gather3A_134, %get3A_130 : vector<16xf32>
      %sub3A_136 = arith.subf %gather3A_128, %get3A_124 : vector<16xf32>
      %add3A_137 = arith.constant 1.000000e-07 : f32
      %add3A_138 = vector.broadcast %add3A_137 : f32 to vector<16xf32>
      %add3A_139 = arith.addf %sub3A_136, %add3A_138 : vector<16xf32>
      %div3A_140 = arith.divf %sub3A_135, %add3A_139 : vector<16xf32>
      %mul3A_141 = arith.mulf %div3A_140, %div3A_33 : vector<16xf32>
      %mul3A_142 = arith.mulf %mul3A_141, %gather3A_31 : vector<16xf32>
      %swap3A_143 = arith.constant 16 : index
      %swap3A_144 = tpu.vector_load %arg13[%swap3A_143] {strides = array<i32>} : memref<32xf32, #tpu.memory_space<vmem>>, vector<16xf32>,
      tpu.vector_store %arg13[%swap3A_143], %mul3A_142 {strides = array<i32>} : memref<32xf32, #tpu.memory_space<vmem>>, vector<16xf32>,
      %mul3A_145 = arith.mulf %gather3A, %div3A_33 : vector<16xf32>
      %add3A_146 = arith.addf %get3A_124, %mul3A_145 : vector<16xf32>
      %mul3A_147 = arith.mulf %add3A_146, %div3A_140 : vector<16xf32>
      %sub3A_148 = arith.subf %get3A_130, %mul3A_147 : vector<16xf32>
      %sub3A_149 = arith.constant 5.000000e-01 : f32
      %sub3A_150 = vector.broadcast %sub3A_149 : f32 to vector<16xf32>
      %sub3A_151 = arith.subf %sub3A_148, %sub3A_150 : vector<16xf32>
      %mul3A_152 = arith.mulf %sub3A_151, %gather3A_31 : vector<16xf32>
      %swap3A_153 = arith.constant 16 : index
      %swap3A_154 = tpu.vector_load %arg14[%swap3A_153] {strides = array<i32>} : memref<32xf32, #tpu.memory_space<vmem>>, vector<16xf32>,
      tpu.vector_store %arg14[%swap3A_153], %mul3A_152 {strides = array<i32>} : memref<32xf32, #tpu.memory_space<vmem>>, vector<16xf32>,
      %add3A_155 = arith.addf %gather3A, %gather3A_25 : vector<16xf32>
      %mul3A_156 = arith.constant 3.100000e+01 : f32
      %mul3A_157 = vector.broadcast %mul3A_156 : f32 to vector<16xf32>
      %mul3A_158 = arith.mulf %div3A_33, %mul3A_157 : vector<16xf32>
      %dma_wait3A = arith.constant 0 : i32
      %dma_wait3A_159 = tpu.memref_slice %arg7[%dma_wait3A] : memref<31264xf32, #tpu.memory_space<vmem>> -> memref<15408xf32, #tpu.memory_space<vmem>>
      %dma_wait3A_160 = arith.constant 969184 : i32
      %dma_wait3A_161 = tpu.memref_slice %arg2[%dma_wait3A_160] : memref<1000000xf32, #tpu.memory_space<hbm>> -> memref<15408xf32, #tpu.memory_space<hbm>>
      %dma_wait3A_162 = arith.constant 0 : i32
      %dma_wait3A_163 = tpu.memref_slice %arg7[%dma_wait3A_162] : memref<31264xf32, #tpu.memory_space<vmem>> -> memref<15408xf32, #tpu.memory_space<vmem>>
      %dma_wait3A_164 = arith.constant 969184 : i32
      %dma_wait3A_165 = tpu.memref_slice %arg2[%dma_wait3A_164] : memref<1000000xf32, #tpu.memory_space<hbm>> -> memref<15408xf32, #tpu.memory_space<hbm>>
      tpu.wait_dma2 semaphore(%arg16 : memref<!tpu.dma_semaphore, #tpu.memory_space<semaphore_mem>>) src(%dma_wait3A_165 : memref<15408xf32, #tpu.memory_space<hbm>>) dst(%dma_wait3A_163 : memref<15408xf32, #tpu.memory_space<vmem>>)
      %parallel_loop3A = arith.constant 0 : i32
      %parallel_loop3A_166 = arith.constant 15408 : i32
      %parallel_loop3A_167 = arith.constant 16 : i32
      scf.for %parallel_loop3A_211 = %parallel_loop3A to %parallel_loop3A_166 step %parallel_loop3A_167  : i32 {
        %parallel_loop3A_212 = arith.index_cast %parallel_loop3A_211 : i32 to index
        %parallel_loop3A_213 = tpu.vector_load %arg7[%parallel_loop3A_212] {strides = array<i32>} : memref<31264xf32, #tpu.memory_space<vmem>>, vector<16xf32>,
        %parallel_loop3A_214 = arith.maximumf %parallel_loop3A_213, %gather3A : vector<16xf32>
        %parallel_loop3A_215 = arith.minimumf %parallel_loop3A_214, %add3A_155 : vector<16xf32>
        %parallel_loop3A_216 = arith.subf %parallel_loop3A_215, %gather3A : vector<16xf32>
        %parallel_loop3A_217 = arith.mulf %parallel_loop3A_216, %mul3A_158 : vector<16xf32>
        %parallel_loop3A_218 = arith.fptosi %parallel_loop3A_217 : vector<16xf32> to vector<16xi32>
        %parallel_loop3A_219 = arith.constant 30 : i32
        %parallel_loop3A_220 = vector.broadcast %parallel_loop3A_219 : i32 to vector<16xi32>
        %parallel_loop3A_221 = arith.minsi %parallel_loop3A_218, %parallel_loop3A_220 : vector<16xi32>
        %parallel_loop3A_222 = tpu.vector_load_idx %arg13[%parallel_loop3A_221] : memref<32xf32, #tpu.memory_space<vmem>>[vector<16xi32>], vector<16xf32>,
        %parallel_loop3A_223 = tpu.vector_load_idx %arg14[%parallel_loop3A_221] : memref<32xf32, #tpu.memory_space<vmem>>[vector<16xi32>], vector<16xf32>,
        %parallel_loop3A_224 = arith.mulf %parallel_loop3A_215, %parallel_loop3A_222 : vector<16xf32>
        %parallel_loop3A_225 = arith.addf %parallel_loop3A_223, %parallel_loop3A_224 : vector<16xf32>
        %parallel_loop3A_226 = arith.constant 1.111000e+01 : f32
        %parallel_loop3A_227 = vector.broadcast %parallel_loop3A_226 : f32 to vector<16xf32>
        %parallel_loop3A_228 = arith.cmpf oeq, %parallel_loop3A_213, %parallel_loop3A_227 : vector<16xf32>
        %parallel_loop3A_229 = arith.select %parallel_loop3A_228, %mul3A_48, %parallel_loop3A_225 : vector<16xi1>, vector<16xf32>
        %parallel_loop3A_230 = arith.index_cast %parallel_loop3A_211 : i32 to index
        %parallel_loop3A_231 = tpu.vector_load %arg8[%parallel_loop3A_230] {strides = array<i32>} : memref<31264xf32, #tpu.memory_space<vmem>>, vector<16xf32>,
        tpu.vector_store %arg8[%parallel_loop3A_230], %parallel_loop3A_229 {strides = array<i32>} : memref<31264xf32, #tpu.memory_space<vmem>>, vector<16xf32>,
      } {sc.loop_unroll_factor = 8 : i64, sc.parallel_access}
      %dma_start3A_168 = arith.constant 0 : i32
      %dma_start3A_169 = tpu.memref_slice %arg8[%dma_start3A_168] : memref<31264xf32, #tpu.memory_space<vmem>> -> memref<15408xf32, #tpu.memory_space<vmem>>
      %dma_start3A_170 = arith.constant 969184 : i32
      %dma_start3A_171 = tpu.memref_slice %arg6[%dma_start3A_170] : memref<1000000xf32, #tpu.memory_space<hbm>> -> memref<15408xf32, #tpu.memory_space<hbm>>
      %dma_start3A_172 = arith.constant 969184 : i32
      %dma_start3A_173 = tpu.memref_slice %arg6[%dma_start3A_172] : memref<1000000xf32, #tpu.memory_space<hbm>> -> memref<15408xf32, #tpu.memory_space<hbm>>
      %dma_start3A_174 = arith.constant 0 : i32
      %dma_start3A_175 = tpu.memref_slice %arg8[%dma_start3A_174] : memref<31264xf32, #tpu.memory_space<vmem>> -> memref<15408xf32, #tpu.memory_space<vmem>>
      tpu.enqueue_dma source(%dma_start3A_175 : memref<15408xf32, #tpu.memory_space<vmem>>) target(%dma_start3A_173 : memref<15408xf32, #tpu.memory_space<hbm>>) target_semaphore(%arg18 : memref<!tpu.dma_semaphore, #tpu.memory_space<semaphore_mem>>)
      %dma_wait3A_176 = arith.constant 15408 : i32
      %dma_wait3A_177 = tpu.memref_slice %arg7[%dma_wait3A_176] : memref<31264xf32, #tpu.memory_space<vmem>> -> memref<15408xf32, #tpu.memory_space<vmem>>
      %dma_wait3A_178 = arith.constant 984592 : i32
      %dma_wait3A_179 = tpu.memref_slice %arg2[%dma_wait3A_178] : memref<1000000xf32, #tpu.memory_space<hbm>> -> memref<15408xf32, #tpu.memory_space<hbm>>
      %dma_wait3A_180 = arith.constant 15408 : i32
      %dma_wait3A_181 = tpu.memref_slice %arg7[%dma_wait3A_180] : memref<31264xf32, #tpu.memory_space<vmem>> -> memref<15408xf32, #tpu.memory_space<vmem>>
      %dma_wait3A_182 = arith.constant 984592 : i32
      %dma_wait3A_183 = tpu.memref_slice %arg2[%dma_wait3A_182] : memref<1000000xf32, #tpu.memory_space<hbm>> -> memref<15408xf32, #tpu.memory_space<hbm>>
      tpu.wait_dma2 semaphore(%arg17 : memref<!tpu.dma_semaphore, #tpu.memory_space<semaphore_mem>>) src(%dma_wait3A_183 : memref<15408xf32, #tpu.memory_space<hbm>>) dst(%dma_wait3A_181 : memref<15408xf32, #tpu.memory_space<vmem>>)
      %parallel_loop3A_184 = arith.constant 15408 : i32
      %parallel_loop3A_185 = arith.constant 30816 : i32
      %parallel_loop3A_186 = arith.constant 16 : i32
      scf.for %parallel_loop3A_211 = %parallel_loop3A_184 to %parallel_loop3A_185 step %parallel_loop3A_186  : i32 {
        %parallel_loop3A_212 = arith.index_cast %parallel_loop3A_211 : i32 to index
        %parallel_loop3A_213 = tpu.vector_load %arg7[%parallel_loop3A_212] {strides = array<i32>} : memref<31264xf32, #tpu.memory_space<vmem>>, vector<16xf32>,
        %parallel_loop3A_214 = arith.maximumf %parallel_loop3A_213, %gather3A : vector<16xf32>
        %parallel_loop3A_215 = arith.minimumf %parallel_loop3A_214, %add3A_155 : vector<16xf32>
        %parallel_loop3A_216 = arith.subf %parallel_loop3A_215, %gather3A : vector<16xf32>
        %parallel_loop3A_217 = arith.mulf %parallel_loop3A_216, %mul3A_158 : vector<16xf32>
        %parallel_loop3A_218 = arith.fptosi %parallel_loop3A_217 : vector<16xf32> to vector<16xi32>
        %parallel_loop3A_219 = arith.constant 30 : i32
        %parallel_loop3A_220 = vector.broadcast %parallel_loop3A_219 : i32 to vector<16xi32>
        %parallel_loop3A_221 = arith.minsi %parallel_loop3A_218, %parallel_loop3A_220 : vector<16xi32>
        %parallel_loop3A_222 = tpu.vector_load_idx %arg13[%parallel_loop3A_221] : memref<32xf32, #tpu.memory_space<vmem>>[vector<16xi32>], vector<16xf32>,
        %parallel_loop3A_223 = tpu.vector_load_idx %arg14[%parallel_loop3A_221] : memref<32xf32, #tpu.memory_space<vmem>>[vector<16xi32>], vector<16xf32>,
        %parallel_loop3A_224 = arith.mulf %parallel_loop3A_215, %parallel_loop3A_222 : vector<16xf32>
        %parallel_loop3A_225 = arith.addf %parallel_loop3A_223, %parallel_loop3A_224 : vector<16xf32>
        %parallel_loop3A_226 = arith.constant 1.111000e+01 : f32
        %parallel_loop3A_227 = vector.broadcast %parallel_loop3A_226 : f32 to vector<16xf32>
        %parallel_loop3A_228 = arith.cmpf oeq, %parallel_loop3A_213, %parallel_loop3A_227 : vector<16xf32>
        %parallel_loop3A_229 = arith.select %parallel_loop3A_228, %mul3A_48, %parallel_loop3A_225 : vector<16xi1>, vector<16xf32>
        %parallel_loop3A_230 = arith.index_cast %parallel_loop3A_211 : i32 to index
        %parallel_loop3A_231 = tpu.vector_load %arg8[%parallel_loop3A_230] {strides = array<i32>} : memref<31264xf32, #tpu.memory_space<vmem>>, vector<16xf32>,
        tpu.vector_store %arg8[%parallel_loop3A_230], %parallel_loop3A_229 {strides = array<i32>} : memref<31264xf32, #tpu.memory_space<vmem>>, vector<16xf32>,
      } {sc.loop_unroll_factor = 8 : i64, sc.parallel_access}
      %dma_start3A_187 = arith.constant 15408 : i32
      %dma_start3A_188 = tpu.memref_slice %arg8[%dma_start3A_187] : memref<31264xf32, #tpu.memory_space<vmem>> -> memref<15408xf32, #tpu.memory_space<vmem>>
      %dma_start3A_189 = arith.constant 984592 : i32
      %dma_start3A_190 = tpu.memref_slice %arg6[%dma_start3A_189] : memref<1000000xf32, #tpu.memory_space<hbm>> -> memref<15408xf32, #tpu.memory_space<hbm>>
      %dma_start3A_191 = arith.constant 984592 : i32
      %dma_start3A_192 = tpu.memref_slice %arg6[%dma_start3A_191] : memref<1000000xf32, #tpu.memory_space<hbm>> -> memref<15408xf32, #tpu.memory_space<hbm>>
      %dma_start3A_193 = arith.constant 15408 : i32
      %dma_start3A_194 = tpu.memref_slice %arg8[%dma_start3A_193] : memref<31264xf32, #tpu.memory_space<vmem>> -> memref<15408xf32, #tpu.memory_space<vmem>>
      tpu.enqueue_dma source(%dma_start3A_194 : memref<15408xf32, #tpu.memory_space<vmem>>) target(%dma_start3A_192 : memref<15408xf32, #tpu.memory_space<hbm>>) target_semaphore(%arg19 : memref<!tpu.dma_semaphore, #tpu.memory_space<semaphore_mem>>)
      %dma_wait3A_195 = arith.constant 0 : i32
      %dma_wait3A_196 = tpu.memref_slice %arg8[%dma_wait3A_195] : memref<31264xf32, #tpu.memory_space<vmem>> -> memref<15408xf32, #tpu.memory_space<vmem>>
      %dma_wait3A_197 = arith.constant 969184 : i32
      %dma_wait3A_198 = tpu.memref_slice %arg6[%dma_wait3A_197] : memref<1000000xf32, #tpu.memory_space<hbm>> -> memref<15408xf32, #tpu.memory_space<hbm>>
      %dma_wait3A_199 = arith.constant 969184 : i32
      %dma_wait3A_200 = tpu.memref_slice %arg6[%dma_wait3A_199] : memref<1000000xf32, #tpu.memory_space<hbm>> -> memref<15408xf32, #tpu.memory_space<hbm>>
      %dma_wait3A_201 = arith.constant 0 : i32
      %dma_wait3A_202 = tpu.memref_slice %arg8[%dma_wait3A_201] : memref<31264xf32, #tpu.memory_space<vmem>> -> memref<15408xf32, #tpu.memory_space<vmem>>
      tpu.wait_dma2 semaphore(%arg18 : memref<!tpu.dma_semaphore, #tpu.memory_space<semaphore_mem>>) src(%dma_wait3A_202 : memref<15408xf32, #tpu.memory_space<vmem>>) dst(%dma_wait3A_200 : memref<15408xf32, #tpu.memory_space<hbm>>)
      %dma_wait3A_203 = arith.constant 15408 : i32
      %dma_wait3A_204 = tpu.memref_slice %arg8[%dma_wait3A_203] : memref<31264xf32, #tpu.memory_space<vmem>> -> memref<15408xf32, #tpu.memory_space<vmem>>
      %dma_wait3A_205 = arith.constant 984592 : i32
      %dma_wait3A_206 = tpu.memref_slice %arg6[%dma_wait3A_205] : memref<1000000xf32, #tpu.memory_space<hbm>> -> memref<15408xf32, #tpu.memory_space<hbm>>
      %dma_wait3A_207 = arith.constant 984592 : i32
      %dma_wait3A_208 = tpu.memref_slice %arg6[%dma_wait3A_207] : memref<1000000xf32, #tpu.memory_space<hbm>> -> memref<15408xf32, #tpu.memory_space<hbm>>
      %dma_wait3A_209 = arith.constant 15408 : i32
      %dma_wait3A_210 = tpu.memref_slice %arg8[%dma_wait3A_209] : memref<31264xf32, #tpu.memory_space<vmem>> -> memref<15408xf32, #tpu.memory_space<vmem>>
      tpu.wait_dma2 semaphore(%arg19 : memref<!tpu.dma_semaphore, #tpu.memory_space<semaphore_mem>>) src(%dma_wait3A_210 : memref<15408xf32, #tpu.memory_space<vmem>>) dst(%dma_wait3A_208 : memref<15408xf32, #tpu.memory_space<hbm>>)
    } else {
    }
    return
  }
}

</mosaic_0001>

<sc_bundles>
// kernel: kernel.3.cloned.1.call-start
scs
__scs_entry_jumppad:
0x0: {  	(pc) =	sbr.rel $0x88, $3  }
0x1: {  	(tag) =	ssettag $0x0;
	lr =	simm.s32 $0x1  }
0x2: {  	[smem:$0x3F9A] =	sst lr;
	_ =	strace $0xD0000000  }
0x3: {  	_ = 	snop  }
0x4: {  	_ = 	snop  }
0x5: {  	_ = 	snop  }
0x6: {  	_ = 	snop  }
0x7: {  	_ = 	snop  }
__scs_overlays_trampoline_lowered:
0x8: {  	[smem:$0x3FA9] =	sst s0  }
0x9: {  	[smem:$0x3FAA] =	sst s1  }
0xa: {  	[smem:$0x3FAB] =	sst s2  }
0xb: {  	[smem:$0x3FAC] =	sst s3  }
0xc: {  	[smem:$0x3FAD] =	sst s4  }
0xd: {  	[smem:$0x3FAE] =	sst s5  }
0xe: {  	[smem:$0x3FAF] =	sst s6  }
0xf: {  	[smem:$0x3FB0] =	sst s7  }
0x10: {  	[smem:$0x3FB1] =	sst s8  }
0x11: {  	[smem:$0x3FB2] =	sst s9;
	s0 =	simm.s32 @!p0 $0x0  }
0x12: {  	s1 =	sld [smem:$0x3F98];
	s0 =	simm.s32 @p0 $0x1  }
0x13: {  	[smem:$0x3FB3] =	sst s0;
	s0 =	simm.s32 @!p1 $0x0  }
0x14: {  	s2 =	sld [smem:$0x3F97];
	s0 =	simm.s32 @p1 $0x1  }
0x15: {  	[smem:$0x3FB4] =	sst s0;
	s0 =	simm.s32 @!p2 $0x0  }
0x16: {  	s3 =	sld [smem:$0x3FDB];
	s0 =	simm.s32 @p2 $0x1  }
0x17: {  	s4 =	simm.s32 $0x1BF5;
	[smem:$0x3FB6] =	sst s0  }
0x18: {  	s0 =	sld [smem:$0x3F99];
	_ =	swait.ge [sflag:s4], $0x0  }
0x19: {  	s7 =	sld [smem:$0x3F9A]  }
0x1a: {  	s8 =	sadd.s32 $0xFFFFE003, lr  }
0x1b: {  	s9 =	sadd.s32 $0xFFFFFEF7, lr;
	s5 =	simm.s32 $0xFFFFFFFF;
	p2 =	slt.u32 s8, $0xFFFFF086  }
0x1c: {  	p1 =	slt.u32 s9, $0xF7A;
	s5 =	simm.s32 @!p2 $0x0  }
0x1d: {  	s5 =	simm.s32 @p1 $0x1;
	p0 =	seq.s32 s7, s2  }
0x1e: {  	s7 =	smul.u32 @!p0 $0xF7A, s2;
	p2 =	seq.s32 @!p0 s5, $0x0  }
0x1f: {  	s9 =	smul.u32 $0xF7A, s1;
	s8 =	simm.s32 @!p0 $0x1BF5;
	p2 =	por !p2, p0  }
0x20: {  	[sflag:s8] =	ssyncset.s32 @!p0 $0xFFFFF086;
	s6 =	sadd.s32 @!p0 s3, s7;
	s7 =	simm.s32 @!p0 $0x108  }
0x21: {  	s3 =	sadd.s32 s3, s9;
	s6 =	sadd.s32 @!p0 $0x88, s6;
	s7 =	simm.s32 @p2 $0x1082  }
0x22: {  	[simem:s7], [sflag:s8] =	dma.local @!p0 [hbm:s6], $0xF7A  }
0x23: {  	s9 =	sor.u32 $0xD0000000, s2;
	s6 =	simm.s32 $0x108;
	_ =	swait.ge @!p0 [sflag:s8], $0x0  }
0x24: {  	s3 =	sadd.s32 $0x88, s3;
	s6 =	simm.s32 @!p1 $0x1082;
	[sflag:s4] =	ssyncset.s32 $0xFFFFF086  }
0x25: {  	[simem:s6], [sflag:s4] =	dma.local [hbm:s3], $0xF7A  }
0x26: {  	[smem:$0x3F9A] =	sst s1;
	(tag) =	ssettag s2;
	_ =	strace s9  }
0x27: {  	s1 =	sld [smem:$0x3FAA]  }
0x28: {  	s2 =	sld [smem:$0x3FAB]  }
0x29: {  	s4 =	sld [smem:$0x3FAD]  }
0x2a: {  	p0 =	seq.s32 s5, $0x0;
	s5 =	sld [smem:$0x3FAE]  }
0x2b: {  	s6 =	sld [smem:$0x3FAF]  }
0x2c: {  	s7 =	sld [smem:$0x3FB0]  }
0x2d: {  	s3 =	simm.s32 $0x108;
	s8 =	sld [smem:$0x3FB1]  }
0x2e: {  	s3 =	simm.s32 @!p0 $0x1082;
	s9 =	sld [smem:$0x3FB2]  }
0x2f: {  	lr =	sadd.s32 s0, s3;
	s0 =	sld [smem:$0x3FA9]  }
0x30: {  	s3 =	sld [smem:$0x3FAC]  }
0x31: {  	[smem:$0x3FB5] =	sst s10  }
0x32: {  	s10 =	sld [smem:$0x3FB3];
	_ =	sdelay $0x3  }
0x33: {  	p0 =	seq.s32 s10, $0x1;
	s10 =	sld [smem:$0x3FB5];
	_ =	sdelay $0x3  }
0x34: {  	[smem:$0x3FB5] =	sst s10  }
0x35: {  	s10 =	sld [smem:$0x3FB4];
	_ =	sdelay $0x3  }
0x36: {  	p1 =	seq.s32 s10, $0x1;
	s10 =	sld [smem:$0x3FB5];
	_ =	sdelay $0x3  }
0x37: {  	[smem:$0x3FB5] =	sst s10  }
0x38: {  	s10 =	sld [smem:$0x3FB6]  }
0x39: {  	_ = 	snop;
	(pc) =	sbr.ind lr, $3  }
0x3a: {  	_ = 	snop  }
0x3b: {  	_ = 	snop  }
0x3c: {  	p2 =	seq.s32 s10, $0x1;
	s10 =	sld [smem:$0x3FB5]  }
0x3d: {  	_ =	shalt  }
0x3e: {  	_ =	shalt  }
0x3f: {  	_ =	shalt  }
0x40: {  	_ =	shalt  }
0x41: {  	_ =	shalt  }
0x42: {  	_ =	shalt  }
0x43: {  	_ =	shalt  }
0x44: {  	_ =	shalt  }
0x45: {  	_ =	shalt  }
0x46: {  	_ =	shalt  }
0x47: {  	_ =	shalt  }
0x48: {  	_ =	shalt  }
0x49: {  	_ =	shalt  }
0x4a: {  	_ =	shalt  }
0x4b: {  	_ =	shalt  }
0x4c: {  	_ =	shalt  }
0x4d: {  	_ =	shalt  }
0x4e: {  	_ =	shalt  }
0x4f: {  	_ =	shalt  }
0x50: {  	_ =	shalt  }
0x51: {  	_ =	shalt  }
0x52: {  	_ =	shalt  }
0x53: {  	_ =	shalt  }
0x54: {  	_ =	shalt  }
0x55: {  	_ =	shalt  }
0x56: {  	_ =	shalt  }
0x57: {  	_ =	shalt  }
0x58: {  	_ =	shalt  }
0x59: {  	_ =	shalt  }
0x5a: {  	_ =	shalt  }
0x5b: {  	_ =	shalt  }
0x5c: {  	_ =	shalt  }
0x5d: {  	_ =	shalt  }
0x5e: {  	_ =	shalt  }
0x5f: {  	_ =	shalt  }
0x60: {  	_ =	shalt  }
0x61: {  	_ =	shalt  }
0x62: {  	_ =	shalt  }
0x63: {  	_ =	shalt  }
0x64: {  	_ =	shalt  }
0x65: {  	_ =	shalt  }
0x66: {  	_ =	shalt  }
0x67: {  	_ =	shalt  }
0x68: {  	_ =	shalt  }
0x69: {  	_ =	shalt  }
0x6a: {  	_ =	shalt  }
0x6b: {  	_ =	shalt  }
0x6c: {  	_ =	shalt  }
0x6d: {  	_ =	shalt  }
0x6e: {  	_ =	shalt  }
0x6f: {  	_ =	shalt  }
0x70: {  	_ =	shalt  }
0x71: {  	_ =	shalt  }
0x72: {  	_ =	shalt  }
0x73: {  	_ =	shalt  }
0x74: {  	_ =	shalt  }
0x75: {  	_ =	shalt  }
0x76: {  	_ =	shalt  }
0x77: {  	_ =	shalt  }
0x78: {  	_ =	shalt  }
0x79: {  	_ =	shalt  }
0x7a: {  	_ =	shalt  }
0x7b: {  	_ =	shalt  }
0x7c: {  	_ =	shalt  }
0x7d: {  	_ =	shalt  }
0x7e: {  	_ =	shalt  }
0x7f: {  	_ =	shalt  }
0x80: {  	_ =	shalt  }
0x81: {  	_ =	shalt  }
0x82: {  	_ =	shalt  }
0x83: {  	_ =	shalt  }
0x84: {  	_ =	shalt  }
0x85: {  	_ =	shalt  }
0x86: {  	_ =	shalt  }
0x87: {  	_ =	shalt  }
.Lfunc_end0:
.L_simem_size_0:
called_computation_lowered:
.L_overlay_start_0:
0x88: {  	s2 =	sld [smem:$0x3FD9]  }
0x89: {  	s3 =	sld [smem:$0x3FFE];
	_ =	sdelay $0x1  }
0x8a: {  	s1 =	srdreg.scid  }
0x8b: {  	s0 =	sand.u32 $0x1, s1  }
0x8c: {  	s17 =	sshll.u32 s0, $0xA;
	s2 =	sadd.s32 s3, s2  }
0x8d: {  	s2 =	sadd.s32 s2, s17  }
0x8e: {  	[smem:$0x3FC1] =	sst s2  }
0x8f: {  	_ = 	snop  }
0x90: {  	s2 =	sld [smem:$0x3FC6]  }
0x91: {  	s18 =	sld [smem:$0x3FD0];
	(tm) =	ssettm $0x1  }
0x92: {  	s4 =	sld [smem:$0x3FFB];
	_ =	sdelay $0x3  }
0x93: {  	_ =	strace s4  }
0x94: {  	s4 =	sld [smem:$0x3FFC];
	_ =	sdelay $0x3  }
0x95: {  	_ =	strace s4  }
0x96: {  	s4 =	sld [smem:$0x3FFD];
	_ =	sdelay $0x3  }
0x97: {  	_ =	strace s4  }
0x98: {  	_ =	strace $0x8FFFFFFF  }
0x99: {  	s19 =	sld [smem:$0x3FDB];
	_ =	sdelay $0x1  }
0x9a: {  	s5 =	simm.s32 $_scs_section_size  }
0x9b: {  	s6 =	simm.s32 $_size__tile_overlayer_lowered;
	s7 =	simm.s32 $_tile_overlayer_lowered  }
0x9c: {  	s22 =	simm.s32 $0x1BFF;
	s21 =	sshll.u32 s7, $0x1;
	s4 =	sadd.s32 s5, s19  }
0x9d: {  	s8 =	simm.s32 $0x0;
	s20 =	sshll.u32 s6, $0x1;
	s6 =	sadd.s32 s21, s4  }
0x9e: {  	[timem:s8], [sflag:s22] =	dma.local [hbm:s6], s20  }
0x9f: {  	_ =	swait.ge [sflag:s22], s20  }
0xa0: {  	s5 =	ssub.s32 $0x0, s20;
	[sflag:s22] =	ssyncset.done $0x0  }
0xa1: {  	[sflag:s22] =	ssyncadd.s32 s5;
	_ =	sdelay $0x1  }
0xa2: {  	s23 =	simm.s32 $0x1B8B  }
0xa3: {  	_ =	swait.ge [sflag:s23], $0x1  }
0xa4: {  	[sflag:s23] =	ssyncset.done $0x0  }
0xa5: {  	s25 =	simm.s32 $0x1B8E;
	s24 =	sld [smem:$0x3FFE];
	[sflag:s23] =	ssyncadd.s32 $0xFFFFFFFF  }
0xa6: {  	s26 =	simm.s32 $execute0_lowered;
	[smem:$0x3FD2] =	sst s25  }
0xa7: {  	s6 =	sshll.u32 s26, $0x1;
	_ =	strace $0x80000046;
	[dreg:$0x1] =	wrdreg $0xFFFFFFFF  }
0xa8: {  	s28 =	simm.s32 $_size_execute0_lowered;
	s4 =	sadd.s32 s4, s6;
	[dreg:$0x0] =	wrdreg $0x0  }
0xa9: {  	s6 =	sshll.u32 s28, $0x1;
	[dreg:$0x2] =	wrdreg s4  }
0xaa: {  	[dreg:$0x3] =	wrdreg s6  }
0xab: {  	[dreg:$0x4] =	wrdreg $0xC0  }
0xac: {  	_ =	task [dreg:s8], $0x5FFFF  }
0xad: {  	[dreg:$0x1] =	wrdreg $0xFFFFFFFF  }
0xae: {  	[dreg:$0x0] =	wrdreg $0x60  }
0xaf: {  	[dreg:$0x2] =	wrdreg s24  }
0xb0: {  	[dreg:$0x3] =	wrdreg s18  }
0xb1: {  	[dreg:$0x4] =	wrdreg s2  }
0xb2: {  	[dreg:$0x5] =	wrdreg $0x9  }
0xb3: {  	_ =	task.clear_ibuf [dreg:s8], $0x6FFFF;
	_ =	strace $0x90000046  }
0xb4: {  	s29 =	simm.s32 $0x9;
	_ =	strace $0x80000048  }
0xb5: {  	_ =	swait.ge [sflag:s29], $0x1  }
0xb6: {  	[sflag:s29] =	ssyncadd.s32 $0xFFFFFFFF  }
0xb7: {  	_ =	strace $0x90000048  }
0xb8: {  	_ =	sfence  }
0xb9: {  	s30 =	sld [smem:$0x0];
	_ =	sdelay $0x2  }
0xba: {  	s31 =	sshll.u32 s1, $0xD;
	s1 =	sshrl.u32 s1, $0x2  }
0xbb: {  	s3 =	sand.u32 $0x4000, s31;
	s1 =	sadd.s32 s1, s30  }
0xbc: {  	s0 =	sor.u32 s3, s0;
	s1 =	sshll.u32 s1, $0x11  }
0xbd: {  	s0 =	sor.u32 s1, s0  }
0xbe: {  	s0 =	sadd.s32 $0x8F2B, s0  }
0xbf: {  	[sflag:s0] =	ssyncadd.remote.s32 $0x1  }
0xc0: {  	_ =	sfence.sel $0xFFFF  }
0xc1: {  	[dreg:$0x0] =	wrdreg $0xFFFFFFFF;
	(pc) =	sbr.abs _section_cstart, $3  }
0xc2: {  	[dreg:$0x1] =	wrdreg $0xFFFFFFFF  }
0xc3: {  	_ =	task.clear_ibuf [dreg:s8], $0x2FFFF;
	_ =	strace $0x9FFFFFFF  }
0xc4: {  	(tm) =	ssettm $0x7FFFFFFF  }
0xc5: {  	_ =	shalt  }
tec
execute0_lowered:
.L_overlay_start_1:
0x0: {  	(tag) =	ssettag $0x1  }
0x1: {  	s0 =	rddreg [dreg:$0x0]  }
0x2: {  	s28 =	rddreg [dreg:$0x1]  }
0x3: {  	s25 =	rddreg [dreg:$0x2]  }
0x4: {  	s1 =	srdreg.scid;
	s2 =	stileid.u32;
	s4 =	simm.s32 $0x0  }
0x5: {  	s16 =	simm.s32 $0xF500;
	s17 =	simm.s32 $0x5;
	s18 =	simm.s32 $0xF580  }
0x6: {  	s31 =	simm.s32 $0xF600;
	s20 =	simm.s32 $0xF800;
	s21 =	simm.s32 $0xF680  }
0x7: {  	s22 =	simm.s32 $0x1;
	s23 =	simm.s32 $0xF700;
	s24 =	simm.s32 $0xF780  }
0x8: {  	s29 =	simm.s32 $0x3;
	s30 =	simm.s32 $0x4;
	s1 =	sand.u32 $0x1, s1  }
0x9: {  	s2 =	sshll.u32 s2, $0x1;
	[smem:$0x7FF] =	sst s4;
	s7 =	sadd.s32 $0x400, s0  }
0xa: {  	s5 =	sadd.s32 $0x200, s0;
	s9 =	sadd.s32 $0x1EE00, s0;
	s11 =	sadd.s32 $0x1E4C2, s0  }
0xb: {  	s12 =	sadd.s32 $0x3C73C, s0;
	s2 =	sor.u32 s1, s2;
	s1 =	ssub.s32 $0x2, s1  }
0xc: {  	s13 =	sadd.s32 $0x3CEC2, s0;
	s3 =	smul.u32 $0x7A20, s2;
	s6 =	sshrl.u32 s1, $0x1  }
.Ltmp0:
0xd: {  	_ =	strace $0x80000047;
	s1 =	ssub.s32 s1, s6;
	(pc) =	sbr.rel .LBB2_1-.Ltmp0, $4  }
0xe: {  	p0 =	seq.s32 s2, $0x1F;
	s3 =	sshrl.u32 s3, $0x3;
	s14 =	smax.u32 s1, $0x1  }
0xf: {  	v0 =	vimm.s32 $0x1;
	v1 =	vimm.s32 $0x2;
	v2 =	vimm.s32 $0x3;
	s1 =	simm.s32 $0x0;
	s26 =	sadd.s32 s7, s3;
	s10 =	sadd.s32 $0x7A2, s3  }
0x10: {  	v3 =	vimm.s32 $0x4;
	v4 =	vlaneseq.u32;
	v5 =	vimm.s32 $0xF;
	s8 =	sadd.s32 s9, s3;
	[dreg:$0x4] =	wrdreg s26;
	s7 =	sadd.s32 s7, s10  }
0x11: {  	v6 =	vimm.f32 $0.0e+00;
	v7 =	vadd.s32 $0x1, v4;
	v8 =	vadd.s32 $0x11, v4;
	s9 =	sadd.s32 s9, s10;
	s10 =	sadd.s32 $0x1DD3C, s0;
	s26 =	simm.s32 $0x2  }
.LBB2_6:
0x12: {  	_ = 	snop  }
0x13: {  	v43 =	vtrunc.f32 v43  }
0x14: {  	v43 =	vcvt.f32.s32 v43  }
0x15: {  	v44 =	vmul.f32 v44, v12;
	v37 =	vnsel vm5, $0x1E, v37;
	v35 =	vtrunc.f32 v35  }
0x16: {  	v29 =	vmul.f32 v29, v12;
	v38 =	vld.idx.msk [tilespmem:v38+s23+$0x0], $0xffff;
	v35 =	vcvt.f32.s32 v35;
	vm12 =	vlt.s32 v43, $0x1E  }
0x17: {  	v36 =	vld.idx.msk [tilespmem:v36+s24+$0x0], $0xffff;
	v44 =	vtrunc.f32 v44;
	v43 =	vnsel vm12, $0x1E, v43  }
0x18: {  	v45 =	vld.idx.msk [tilespmem:v34+s24+$0x0], $0xffff;
	v29 =	vtrunc.f32 v29;
	v44 =	vcvt.f32.s32 v44;
	vm13 =	vlt.s32 v35, $0x1E  }
0x19: {  	v61 =	vld.idx.msk [tilespmem:v34+s23+$0x0], $0xffff;
	v29 =	vcvt.f32.s32 v29;
	v35 =	vnsel vm13, $0x1E, v35  }
0x1a: {  	vm4 =	vlt.s32 v44, $0x1E;
	v47 =	vld.idx.msk [tilespmem:v37+s23+$0x0], $0xffff  }
0x1b: {  	vm11 =	vlt.s32 v29, $0x1E;
	v37 =	vld.idx.msk [tilespmem:v37+s24+$0x0], $0xffff;
	v44 =	vnsel vm4, $0x1E, v44  }
0x1c: {  	v29 =	vnsel vm11, $0x1E, v29;
	v63 =	vld.idx.msk [tilespmem:v43+s23+$0x0], $0xffff  }
0x1d: {  	v33 =	vadd.f32 v40, v33;
	[tilespmem:s0+$0xFFFFFFB0] =	vst v42;
	v62 =	vsel vm3, v10, v41;
	v43 =	vld.idx.msk [tilespmem:v43+s24+$0x0], $0xffff  }
0x1e: {  	v26 =	vmul.f32 v26, v39;
	v32 =	vsel vm0, v10, v32;
	v31 =	vsel vm1, v10, v31;
	v49 =	vld.idx.msk [tilespmem:v35+s23+$0x0], $0xffff  }
0x1f: {  	vm14 =	veq.f32 v17, $1.110999970e+01;
	vm15 =	veq.f32 v18, $1.110999970e+01;
	[tilespmem:s0+$0xFFFFFFE0] =	vst v62;
	v27 =	vmul.f32 v27, v38;
	v53 =	vld.idx.msk [tilespmem:v35+s24+$0x0], $0xffff  }
0x20: {  	vm8 =	veq.f32 v20, $1.110999970e+01;
	vm9 =	veq.f32 v23, $1.110999970e+01;
	[tilespmem:s0+$0xFFFFFFA0] =	vst v32;
	v22 =	vmul.f32 v22, v61;
	v46 =	vld.idx.msk [tilespmem:v44+s23+$0x0], $0xffff  }
0x21: {  	vm10 =	veq.f32 v15, $1.110999970e+01;
	[tilespmem:s0+$0xFFFFFFD0] =	vst v31;
	v33 =	vsel vm2, v10, v33;
	v51 =	vadd.f32 v27, v30;
	v48 =	vld.idx.msk [tilespmem:v29+s23+$0x0], $0xffff  }
0x22: {  	[tilespmem:s0+$0xFFFFFF90] =	vst v33;
	vm12 =	veq.f32 v13, $1.110999970e+01;
	v22 =	vadd.f32 v22, v45;
	v50 =	vmul.f32 v24, v47;
	v42 =	vld.idx.msk [tilespmem:v44+s24+$0x0], $0xffff  }
0x23: {  	v15 =	vsel vm15, v10, v51;
	v44 =	vadd.f32 v26, v36;
	v52 =	vld.idx.msk [tilespmem:v29+s24+$0x0], $0xffff;
	v25 =	vmul.f32 v25, v63  }
0x24: {  	v56 =	vsel vm14, v10, v22;
	[tilespmem:s15+$0xFFFFFFC0] =	vst v15;
	v23 =	vadd.f32 v50, v37;
	v20 =	vmul.f32 v21, v49  }
0x25: {  	[tilespmem:s15+$0xFFFFFFB0] =	vst v56;
	v18 =	vsel vm10, v10, v44;
	v54 =	vmul.f32 v28, v46;
	v17 =	vadd.f32 v25, v43  }
0x26: {  	[tilespmem:s15+$0x0] =	vst v18;
	v55 =	vsel vm9, v10, v23;
	v19 =	vmul.f32 v19, v48;
	v59 =	vadd.f32 v20, v53  }
0x27: {  	vm13 =	veq.f32 v14, $1.110999970e+01;
	[tilespmem:s15+$0xFFFFFFF0] =	vst v55;
	v18 =	vadd.f32 v54, v42;
	v58 =	vsel vm8, v10, v17  }
0x28: {  	vm11 =	veq.f32 v16, $1.110999970e+01;
	v57 =	vadd.f32 v19, v52;
	v13 =	vsel vm13, v10, v59;
	[tilespmem:s15+$0xFFFFFFE0] =	vst v58  }
0x29: {  	[tilespmem:s15+$0xFFFFFF90] =	vst v13;
	v60 =	vsel vm11, v10, v18  }
0x2a: {  	v61 =	vsel vm12, v10, v57;
	[tilespmem:s15+$0xFFFFFFA0] =	vst v60  }
0x2b: {  	[tilespmem:s15+$0xFFFFFFD0] =	vst v61  }
0x2c: {  	v13 =	vld [tilespmem:$0x7A10];
	_ =	sdelay $0x4  }
0x2d: {  	v62 =	vmax.f32 v13, v9  }
0x2e: {  	v11 =	vmin.f32 v62, v11  }
0x2f: {  	v9 =	vsub.f32 v11, v9;
	_ =	sdelay $0x1  }
0x30: {  	v9 =	vmul.f32 v9, v12;
	_ =	sdelay $0x1  }
0x31: {  	v9 =	vtrunc.f32 v9  }
0x32: {  	v9 =	vcvt.f32.s32 v9;
	_ =	sdelay $0x1  }
0x33: {  	vm14 =	vlt.s32 v9, $0x1E  }
0x34: {  	v9 =	vnsel vm14, $0x1E, v9;
	_ =	sdelay $0x4  }
0x35: {  	v63 =	vld.idx.msk [tilespmem:v9+s23+$0x0], $0xffff;
	_ =	sdelay $0x1  }
0x36: {  	v9 =	vld.idx.msk [tilespmem:v9+s24+$0x0], $0xffff;
	_ =	sdelay $0x2  }
0x37: {  	v11 =	vmul.f32 v11, v63;
	_ =	sdelay $0x1  }
0x38: {  	v9 =	vadd.f32 v11, v9  }
0x39: {  	vm15 =	veq.f32 v13, $1.110999970e+01  }
0x3a: {  	v9 =	vsel vm15, v10, v9  }
0x3b: {  	s19 =	simm.s32 $0xB790;
	[tilespmem:$0xF490] =	vst v9  }
0x3c: {  	[hbm4b:s9+s4] =	stream.linear.scatter [tilespmem:s19], [sflag:$0x4], $0x3D10, $0x38;
	[tilespmem:$0xF880] =	vst v63  }
0x3d: {  	_ =	swait.ge [sflag:s29], $0x3D10  }
0x3e: {  	[sflag:s29] =	ssyncset.done $0x0  }
0x3f: {  	[sflag:s29] =	ssyncadd.s32 $0xFFFFC2F0  }
0x40: {  	_ =	swait.ge [sflag:s30], $0x3D10  }
0x41: {  	[sflag:s30] =	ssyncset.done $0x0  }
0x42: {  	[sflag:s30] =	ssyncadd.s32 $0xFFFFC2F0  }
.LBB2_16:
0x43: {  	s1 =	sadd.s32 $0x1, s1  }
0x44: {  	p1 =	sne.s32 s1, s14  }
.Ltmp1:
0x45: {  	_ = 	snop;
	(pc) =	sbr.rel @!p1 .LBB2_17-.Ltmp1, $1  }
0x46: {  	_ =	sdelay $0x3  }
.LBB2_1:
.Ltmp2:
0x47: {  	(pc) =	sbr.rel @!p0 .LBB2_2-.Ltmp2, $1  }
0x48: {  	_ =	sdelay $0x3  }
0x49: {  	[tilespmem:s4], [sflag:$0x1] =	stream.linear.gather [hbm4b:s10+s4], $0x3C30, $0x38;
	[tilespmem:$0xF880] =	vst v63  }
0x4a: {  	s0 =	simm.s32 $0x3C30  }
0x4b: {  	[tilespmem:s0], [sflag:$0x2] =	stream.linear.gather [hbm4b:s11+s4], $0x3C30, $0x38;
	[tilespmem:$0xF880] =	vst v63  }
0x4c: {  	_ = 	snop  }
0x4d: {  	[tilespmem:s16], [sflag:$0x5] =	stream.linear.gather [hbm4b:s5+s4], $0x80, $0x38;
	[tilespmem:$0xF880] =	vst v63  }
0x4e: {  	_ =	swait.ge [sflag:s17], $0x80  }
0x4f: {  	[sflag:s17] =	ssyncset.done $0x0  }
0x50: {  	[sflag:s17] =	ssyncadd.s32 $0xFFFFFF80  }
0x51: {  	[tilespmem:s18], [sflag:$0x5] =	stream.linear.gather [hbm4b:s25+s4], $0x20, $0x38;
	[tilespmem:$0xF880] =	vst v63  }
0x52: {  	_ =	swait.ge [sflag:s17], $0x20  }
0x53: {  	[sflag:s17] =	ssyncset.done $0x0  }
0x54: {  	[sflag:s17] =	ssyncadd.s32 $0xFFFFFFE0  }
0x55: {  	[tilespmem:s31], [sflag:$0x5] =	stream.linear.gather [hbm4b:s28+s4], $0x80, $0x38;
	[tilespmem:$0xF880] =	vst v63  }
0x56: {  	_ =	swait.ge [sflag:s17], $0x80  }
0x57: {  	[sflag:s17] =	ssyncset.done $0x0  }
0x58: {  	[sflag:s17] =	ssyncadd.s32 $0xFFFFFF80  }
0x59: {  	v9 =	vld [tilespmem:$0xF600]  }
0x5a: {  	v10 =	vld [tilespmem:$0xF610];
	_ =	sdelay $0x4  }
0x5b: {  	v9 =	vand.u32 $0x7FFFFFFF, v9;
	v10 =	vand.u32 $0x7FFFFFFF, v10  }
0x5c: {  	v11 =	vld.idx.msk [tilespmem:v2+s16+$0x0], $0xffff;
	v9 =	vadd.f32 $9.999999710e-10, v9;
	v10 =	vadd.f32 $9.999999710e-10, v10  }
0x5d: {  	vm0 =	veq.s32 v4, $0xF  }
0x5e: {  	(xrf2) =	vadd.scan.msk.f32 $0xffff, v9;
	v9 =	vsel vm0, $0x0, v10  }
0x5f: {  	v10 =	vld.idx.msk [tilespmem:v1+s16+$0x0], $0xffff;
	(xrf2) =	vadd.scan.msk.f32 $0xffff, v9;
	_ =	sdelay $0x1  }
0x60: {  	v9 =	vadd.f32 v11, v11;
	_ =	sdelay $0x1  }
0x61: {  	v9 =	vmul.f32 $1.442695020e+00, v9  }
0x62: {  	(erf) = vrcp.f32 v10  }
0x63: {  	(erf) = vpow2.f32 v9;
	_ =	sdelay $0x2  }
0x64: {  	v12 =	vld.idx.msk [tilespmem:v3+s16+$0x0], $0xffff;
	v11, _, _ =	vpop (xrf2)  }
0x65: {  	v9 =	vld.idx.msk [tilespmem:v0+s16+$0x0], $0xffff;
	[tilespmem:$0xF800] =	vst v11;
	v13, _, _ =	vpop (xrf2)  }
0x66: {  	v14 =	vld.idx.msk [tilespmem:v5+s20+$0x0], $0xffff;
	[tilespmem:$0xF800] =	vst v13  }
0x67: {  	v15 =	vld.idx.msk [tilespmem:v5+s20+$0x0], $0xffff;
	_ =	sdelay $0x1  }
0x68: {  	v16 =	vpop (erf)  }
0x69: {  	v17 =	vpop (erf)  }
0x6a: {  	v17 =	vadd.f32 $1.000000000e+00, v17  }
0x6b: {  	v15 =	vadd.f32 v15, v14  }
0x6c: {  	(erf) = vrcp.f32 v17  }
0x6d: {  	(erf) = vrcp.f32 v15;
	_ =	sdelay $0x7  }
0x6e: {  	v15 =	vpop (erf)  }
0x6f: {  	v13 =	vadd.f32 v13, v14;
	v17 =	vpop (erf)  }
0x70: {  	v11 =	vmul.f32 v17, v11  }
0x71: {  	[tilespmem:$0xF680] =	vst v6;
	v13 =	vmul.f32 v17, v13  }
0x72: {  	[tilespmem:v7+s21+$0x0] =	vst.idx.msk $0xffff, v11  }
0x73: {  	[tilespmem:v8+s21+$0x0] =	vst.idx.msk $0xffff, v13  }
0x74: {  	v11 =	vld [tilespmem:$0xF580]  }
0x75: {  	v13 =	vld.idx.msk [tilespmem:v7+s18+$0x0], $0xffff;
	_ =	sdelay $0x4  }
0x76: {  	v13 =	vsub.f32 v13, v11;
	_ =	sdelay $0x1  }
0x77: {  	v13 =	vadd.f32 $1.000000010e-07, v13;
	_ =	sdelay $0x1  }
0x78: {  	(erf) = vrcp.f32 v13;
	_ =	sdelay $0x1  }
0x79: {  	v14 =	vld.idx.msk [tilespmem:v7+s21+$0x0], $0xffff  }
0x7a: {  	v13 =	vld [tilespmem:$0xF680];
	_ =	sdelay $0x4  }
0x7b: {  	v17 =	vmul.f32 v16, v9;
	v14 =	vsub.f32 v14, v13  }
0x7c: {  	v18 =	vpop (erf)  }
0x7d: {  	v11 =	vadd.f32 v11, v17;
	v14 =	vmul.f32 v18, v14;
	_ =	sdelay $0x1  }
0x7e: {  	v11 =	vmul.f32 v14, v11;
	_ =	sdelay $0x1  }
0x7f: {  	v11 =	vsub.f32 v13, v11  }
0x80: {  	v13 =	vmul.f32 v14, v16  }
0x81: {  	v11 =	vadd.f32 $-5.000000000e-01, v11  }
0x82: {  	v13 =	vmul.f32 v13, v12  }
0x83: {  	v11 =	vmul.f32 v11, v12  }
0x84: {  	[tilespmem:$0xF700] =	vst v13  }
0x85: {  	[tilespmem:$0xF780] =	vst v11;
	v11 =	vld [tilespmem:$0xF590]  }
0x86: {  	v13 =	vld.idx.msk [tilespmem:v8+s18+$0x0], $0xffff;
	_ =	sdelay $0x4  }
0x87: {  	v13 =	vsub.f32 v13, v11;
	_ =	sdelay $0x1  }
0x88: {  	v13 =	vadd.f32 $1.000000010e-07, v13;
	_ =	sdelay $0x1  }
0x89: {  	(erf) = vrcp.f32 v13;
	_ =	sdelay $0x1  }
0x8a: {  	v14 =	vld.idx.msk [tilespmem:v8+s21+$0x0], $0xffff  }
0x8b: {  	v13 =	vld [tilespmem:$0xF690];
	_ =	sdelay $0x4  }
0x8c: {  	v14 =	vsub.f32 v14, v13  }
0x8d: {  	v18 =	vpop (erf)  }
0x8e: {  	v11 =	vadd.f32 v11, v17;
	v14 =	vmul.f32 v18, v14;
	_ =	sdelay $0x1  }
0x8f: {  	v11 =	vmul.f32 v14, v11;
	_ =	sdelay $0x1  }
0x90: {  	v11 =	vsub.f32 v13, v11  }
0x91: {  	v13 =	vmul.f32 v14, v16  }
0x92: {  	v11 =	vadd.f32 $-5.000000000e-01, v11  }
0x93: {  	v13 =	vmul.f32 v13, v12  }
0x94: {  	v11 =	vmul.f32 v11, v12  }
0x95: {  	[tilespmem:$0xF710] =	vst v13  }
0x96: {  	[tilespmem:$0xF790] =	vst v11  }
0x97: {  	_ =	swait.ge [sflag:s22], $0x3C30  }
0x98: {  	[sflag:s22] =	ssyncset.done $0x0  }
0x99: {  	s15 =	simm.s32 $0x40;
	[sflag:s22] =	ssyncadd.s32 $0xFFFFC3D0  }
0x9a: {  	v13 =	vld [tilespmem:s15+$0x20]  }
0x9b: {  	v11 =	vadd.f32 v15, v15;
	v18 =	vld [tilespmem:s15+$0x30]  }
0x9c: {  	v20 =	vld [tilespmem:s15+$0xFFFFFFD0]  }
0x9d: {  	v11 =	vsub.f32 $1.000000000e+00, v11;
	v23 =	vld [tilespmem:s15+$0x10]  }
0x9e: {  	v19 =	vld [tilespmem:s15+$0x0]  }
0x9f: {  	v11 =	vmul.f32 $5.000000000e-01, v11;
	v22 =	vld [tilespmem:s15+$0xFFFFFFC0]  }
0xa0: {  	v10 =	vadd.f32 v10, v9  }
0xa1: {  	v11 =	vmul.f32 v11, v12;
	v12 =	vmul.f32 $3.100000000e+01, v16;
	v14 =	vmax.f32 v18, v9  }
0xa2: {  	v21 =	vld [tilespmem:s15+$0xFFFFFFF0];
	v15 =	vmax.f32 v20, v9;
	v17 =	vmax.f32 v13, v9;
	v29 =	vmax.f32 v23, v9  }
0xa3: {  	vm2 =	veq.f32 v13, $1.110999970e+01;
	vm7 =	veq.f32 v18, $1.110999970e+01;
	v24 =	vmin.f32 v14, v10  }
0xa4: {  	v14 =	vmax.f32 v19, v9;
	v28 =	vmin.f32 v15, v10;
	v15 =	vmax.f32 v22, v9  }
0xa5: {  	v25 =	vld [tilespmem:s15+$0xFFFFFFE0];
	v33 =	vmin.f32 v17, v10;
	v16 =	vsub.f32 v24, v9;
	v27 =	vmin.f32 v14, v10  }
0xa6: {  	v32 =	vmin.f32 v15, v10;
	v15 =	vsub.f32 v28, v9;
	v26 =	vsub.f32 v27, v9  }
0xa7: {  	v14 =	vmax.f32 v21, v9;
	v35 =	vsub.f32 v32, v9;
	v16 =	vmul.f32 v16, v12  }
0xa8: {  	v30 =	vmin.f32 v14, v10;
	v15 =	vmul.f32 v15, v12;
	v17 =	vmul.f32 v26, v12  }
0xa9: {  	v31 =	vsub.f32 v30, v9;
	v35 =	vmul.f32 v35, v12;
	v14 =	vtrunc.f32 v16  }
0xaa: {  	v16 =	vmax.f32 v25, v9;
	v15 =	vtrunc.f32 v15;
	v14 =	vcvt.f32.s32 v14  }
0xab: {  	v34 =	vmin.f32 v16, v10;
	v16 =	vsub.f32 v33, v9;
	v17 =	vtrunc.f32 v17  }
0xac: {  	v36 =	vcvt.f32.s32 v15;
	v26 =	vsub.f32 v34, v9;
	vm0 =	vlt.s32 v14, $0x1E  }
0xad: {  	s19 =	simm.s32 $0xC0;
	v17 =	vcvt.f32.s32 v17;
	v16 =	vmul.f32 v16, v12;
	v14 =	vnsel vm0, $0x1E, v14  }
0xae: {  	v13 =	vld [tilespmem:s19+$0xFFFFFFD0];
	v29 =	vmin.f32 v29, v10;
	v15 =	vmul.f32 v26, v12;
	v26 =	vmul.f32 v31, v12  }
0xaf: {  	v18 =	vld [tilespmem:s19+$0xFFFFFFE0];
	v31 =	vsub.f32 v29, v9;
	vm0 =	vlt.s32 v36, $0x1E;
	v16 =	vtrunc.f32 v16  }
0xb0: {  	v36 =	vnsel vm0, $0x1E, v36;
	vm0 =	vlt.s32 v17, $0x1E;
	v37 =	vtrunc.f32 v15;
	v15 =	vld [tilespmem:s19+$0x20]  }
0xb1: {  	v16 =	vcvt.f32.s32 v16;
	v38 =	vtrunc.f32 v26;
	v40 =	vnsel vm0, $0x1E, v17;
	v17 =	vld [tilespmem:s19+$0xFFFFFFF0]  }
0xb2: {  	v31 =	vmul.f32 v31, v12;
	v26 =	vcvt.f32.s32 v37;
	v62 =	vld.idx.msk [tilespmem:v14+s23+$0x0], $0xffff  }
0xb3: {  	vm4 =	veq.f32 v21, $1.110999970e+01;
	v35 =	vtrunc.f32 v35;
	v39 =	vld.idx.msk [tilespmem:v14+s24+$0x0], $0xffff  }
0xb4: {  	vm0 =	vlt.s32 v16, $0x1E;
	v31 =	vtrunc.f32 v31;
	vm1 =	vlt.s32 v26, $0x1E;
	v14 =	vld [tilespmem:s19+$0x30]  }
0xb5: {  	v63 =	vnsel vm0, $0x1E, v16;
	v16 =	vld [tilespmem:s19+$0x0];
	v41 =	vnsel vm1, $0x1E, v26;
	v26 =	vcvt.f32.s32 v35  }
0xb6: {  	vm0 =	veq.f32 v19, $1.110999970e+01;
	v19 =	vld [tilespmem:s19+$0x10];
	vm1 =	veq.f32 v25, $1.110999970e+01;
	v25 =	vcvt.f32.s32 v31  }
0xb7: {  	vm6 =	veq.f32 v23, $1.110999970e+01;
	v31 =	vld.idx.msk [tilespmem:v36+s23+$0x0], $0xffff;
	v57 =	vmax.f32 v15, v9;
	vm3 =	vlt.s32 v26, $0x1E  }
0xb8: {  	v58 =	vld.idx.msk [tilespmem:v40+s23+$0x0], $0xffff;
	v44 =	vmax.f32 v17, v9;
	vm5 =	vlt.s32 v25, $0x1E;
	v56 =	vnsel vm3, $0x1E, v26  }
0xb9: {  	v40 =	vld.idx.msk [tilespmem:v40+s24+$0x0], $0xffff;
	vm3 =	veq.f32 v20, $1.110999970e+01;
	v25 =	vnsel vm5, $0x1E, v25;
	vm5 =	veq.f32 v22, $1.110999970e+01  }
0xba: {  	v24 =	vmul.f32 v24, v62;
	v21 =	vmax.f32 v16, v9;
	v22 =	vmax.f32 v14, v9;
	v42 =	vld.idx.msk [tilespmem:v63+s23+$0x0], $0xffff  }
0xbb: {  	v51 =	vmax.f32 v19, v9;
	v35 =	vld.idx.msk [tilespmem:v63+s24+$0x0], $0xffff;
	v26 =	vmin.f32 v22, v10;
	v22 =	vcvt.f32.s32 v38  }
0xbc: {  	v21 =	vmin.f32 v21, v10;
	v52 =	vmul.f32 v28, v31;
	v60 =	vld.idx.msk [tilespmem:v41+s23+$0x0], $0xffff;
	v20 =	vadd.f32 v24, v39  }
0xbd: {  	v41 =	vld.idx.msk [tilespmem:v41+s24+$0x0], $0xffff;
	v23 =	vsub.f32 v26, v9;
	v50 =	vsub.f32 v21, v9;
	v38 =	vmul.f32 v27, v58  }
0xbe: {  	v24 =	vld [tilespmem:s19+$0xFFFFFFC0];
	v27 =	vmin.f32 v51, v10;
	v43 =	vsel vm7, v11, v20;
	v20 =	vmax.f32 v13, v9  }
0xbf: {  	vm7 =	vlt.s32 v22, $0x1E;
	v47 =	vmul.f32 v23, v12;
	v49 =	vld.idx.msk [tilespmem:v25+s23+$0x0], $0xffff;
	v23 =	vmin.f32 v44, v10  }
0xc0: {  	v59 =	vld.idx.msk [tilespmem:v25+s24+$0x0], $0xffff;
	v25 =	vmax.f32 v18, v9;
	v50 =	vmul.f32 v50, v12;
	v48 =	vnsel vm7, $0x1E, v22  }
0xc1: {  	v58 =	vld.idx.msk [tilespmem:v36+s24+$0x0], $0xffff;
	v20 =	vmin.f32 v20, v10;
	v42 =	vmul.f32 v33, v42;
	v53 =	vsub.f32 v23, v9  }
0xc2: {  	v45 =	vld.idx.msk [tilespmem:v56+s23+$0x0], $0xffff;
	v25 =	vmin.f32 v25, v10;
	v28 =	vtrunc.f32 v47;
	v61 =	vsub.f32 v20, v9  }
0xc3: {  	v37 =	vld.idx.msk [tilespmem:v56+s24+$0x0], $0xffff;
	v56 =	vtrunc.f32 v50;
	v44 =	vmul.f32 v34, v60;
	v46 =	vmax.f32 v24, v9  }
0xc4: {  	v47 =	vcvt.f32.s32 v28;
	v28 =	vmin.f32 v57, v10;
	v33 =	vcvt.f32.s32 v56  }
0xc5: {  	v34 =	vadd.f32 v42, v35;
	v22 =	vmin.f32 v46, v10;
	v57 =	vsub.f32 v28, v9;
	v63 =	vld.idx.msk [tilespmem:v48+s23+$0x0], $0xffff  }
0xc6: {  	v55 =	vmul.f32 v61, v12;
	v61 =	vsub.f32 v25, v9;
	v36 =	vadd.f32 v44, v41  }
0xc7: {  	v41 =	vadd.f32 v52, v58;
	v31 =	vsub.f32 v22, v9;
	v62 =	vmul.f32 v29, v49;
	v54 =	vld.idx.msk [tilespmem:v48+s24+$0x0], $0xffff  }
0xc8: {  	v45 =	vmul.f32 v32, v45;
	vm7 =	vlt.s32 v47, $0x1E;
	v29 =	vadd.f32 v38, v40  }
0xc9: {  	v32 =	vsub.f32 v27, v9;
	v46 =	vmul.f32 v57, v12;
	v39 =	vadd.f32 v62, v59  }
0xca: {  	v38 =	vnsel vm7, $0x1E, v47;
	v42 =	vmul.f32 v61, v12;
	v30 =	vmul.f32 v30, v63  }
0xcb: {  	s6 =	smov.u32 s25;
	s2 =	simm.s32 $0x80;
	s0 =	simm.s32 $0x7AC0;
	v59 =	vtrunc.f32 v55;
	v62 =	vmul.f32 v53, v12;
	v60 =	vsel vm6, v11, v39  }
0xcc: {  	s3 =	simm.s32 $0x7B40;
	s25 =	smov.u32 s28;
	s28 =	simm.s32 $0x3C00;
	[tilespmem:s0+$0x30] =	vst v43;
	v39 =	vcvt.f32.s32 v59;
	v63 =	vtrunc.f32 v46;
	v40 =	vadd.f32 v30, v54  }
0xcd: {  	s31 =	simm.s32 $0x7B40;
	s15 =	simm.s32 $0xB680;
	s19 =	simm.s32 $0x140;
	v37 =	vadd.f32 v45, v37;
	[tilespmem:s0+$0x10] =	vst v60;
	v35 =	vcvt.f32.s32 v63;
	v30 =	vtrunc.f32 v62  }
.LBB2_8:
0xce: {  	v43 =	vld [tilespmem:s19+$0x20];
	s2 =	sadd.s32 $0x80, s2;
	vm6 =	vlt.s32 v39, $0x1E;
	s3 =	sadd.s32 $0x80, s3;
	v40 =	vsel vm4, v11, v40;
	v34 =	vsel vm2, v11, v34  }
0xcf: {  	v36 =	vsel vm1, v11, v36;
	p1 =	slt.u32 s2, $0x3B80;
	v42 =	vtrunc.f32 v42;
	v44 =	vld.idx.msk [tilespmem:v38+s24+$0x0], $0xffff;
	v41 =	vsel vm3, v11, v41;
	[tilespmem:s0+$0x20] =	vst v34  }
0xd0: {  	v31 =	vmul.f32 v31, v12;
	v37 =	vsel vm5, v11, v37;
	v34 =	vcvt.f32.s32 v42;
	v38 =	vld.idx.msk [tilespmem:v38+s23+$0x0], $0xffff;
	[tilespmem:s0+$0xFFFFFFF0] =	vst v40  }
0xd1: {  	vm1 =	vlt.s32 v33, $0x1E;
	v29 =	vsel vm0, v11, v29;
	v39 =	vnsel vm6, $0x1E, v39;
	v40 =	vld [tilespmem:s19+$0xFFFFFFF0];
	[tilespmem:s0+$0xFFFFFFC0] =	vst v37  }
0xd2: {  	v32 =	vmul.f32 v32, v12;
	v33 =	vnsel vm1, $0x1E, v33;
	v37 =	vld [tilespmem:s19+$0xFFFFFFD0];
	vm0 =	vlt.s32 v34, $0x1E;
	[tilespmem:s0+$0x0] =	vst v29  }
0xd3: {  	v31 =	vtrunc.f32 v31;
	v29 =	vld [tilespmem:s19+$0x30];
	v34 =	vnsel vm0, $0x1E, v34;
	vm0 =	vlt.s32 v35, $0x1E;
	[tilespmem:s0+$0xFFFFFFD0] =	vst v41  }
0xd4: {  	v32 =	vtrunc.f32 v32;
	v31 =	vcvt.f32.s32 v31;
	v41 =	vld [tilespmem:s19+$0x0];
	v35 =	vnsel vm0, $0x1E, v35;
	[tilespmem:s0+$0xFFFFFFE0] =	vst v36;
	s0 =	smov.u32 s31;
	s31 =	smov.u32 s3  }
0xd5: {  	vm2 =	veq.f32 v15, $1.110999970e+01;
	vm1 =	veq.f32 v18, $1.110999970e+01;
	v18 =	vcvt.f32.s32 v32;
	v15 =	vmovc v43;
	v36 =	vld [tilespmem:s19+$0x10]  }
0xd6: {  	vm3 =	vlt.s32 v31, $0x1E;
	vm0 =	veq.f32 v16, $1.110999970e+01;
	v26 =	vmul.f32 v26, v38;
	v32 =	vld.idx.msk [tilespmem:v39+s23+$0x0], $0xffff  }
0xd7: {  	vm4 =	veq.f32 v17, $1.110999970e+01;
	vm5 =	vlt.s32 v18, $0x1E;
	v38 =	vnsel vm3, $0x1E, v31;
	v17 =	vmovc v40;
	v42 =	vld.idx.msk [tilespmem:v33+s24+$0x0], $0xffff  }
0xd8: {  	vm3 =	veq.f32 v13, $1.110999970e+01;
	v40 =	vnsel vm5, $0x1E, v18;
	v43 =	vadd.f32 v26, v44;
	v13 =	vmovc v37;
	v31 =	vld [tilespmem:s19+$0xFFFFFFC0]  }
0xd9: {  	vm7 =	veq.f32 v14, $1.110999970e+01;
	vm6 =	veq.f32 v19, $1.110999970e+01;
	vm5 =	veq.f32 v24, $1.110999970e+01;
	v14 =	vmovc v29;
	v18 =	vld [tilespmem:s19+$0xFFFFFFE0];
	v16 =	vmovc v41  }
0xda: {  	v29 =	vmax.f32 v15, v9;
	v44 =	vmax.f32 v14, v9;
	v24 =	vmax.f32 v16, v9;
	v37 =	vld.idx.msk [tilespmem:v35+s23+$0x0], $0xffff  }
0xdb: {  	v30 =	vcvt.f32.s32 v30;
	v41 =	vsel vm7, v11, v43;
	v26 =	vmin.f32 v44, v10;
	v19 =	vmovc v36;
	v33 =	vld.idx.msk [tilespmem:v33+s23+$0x0], $0xffff  }
0xdc: {  	v36 =	vmax.f32 v13, v9;
	v43 =	vmin.f32 v24, v10;
	v48 =	vsub.f32 v26, v9;
	v44 =	vld.idx.msk [tilespmem:v38+s23+$0x0], $0xffff  }
0xdd: {  	v45 =	vmax.f32 v17, v9;
	vm7 =	vlt.s32 v30, $0x1E;
	v36 =	vmin.f32 v36, v10;
	v46 =	vld.idx.msk [tilespmem:v40+s24+$0x0], $0xffff;
	[tilespmem:s0+$0x30] =	vst v41  }
0xde: {  	v30 =	vnsel vm7, $0x1E, v30;
	v41 =	vmax.f32 v31, v9;
	v47 =	vmul.f32 v48, v12;
	v24 =	vmovc v31;
	v40 =	vld.idx.msk [tilespmem:v40+s23+$0x0], $0xffff  }
0xdf: {  	v49 =	vmax.f32 v19, v9;
	v50 =	vmul.f32 v20, v32;
	v48 =	vsub.f32 v43, v9;
	v51 =	vld.idx.msk [tilespmem:v34+s23+$0x0], $0xffff  }
0xe0: {  	v45 =	vmin.f32 v45, v10;
	v20 =	vmovc v36;
	v32 =	vtrunc.f32 v47;
	v47 =	vld.idx.msk [tilespmem:v34+s24+$0x0], $0xffff;
	v34 =	vmul.f32 v28, v37  }
0xe1: {  	v36 =	vmin.f32 v41, v10;
	v37 =	vmax.f32 v18, v9;
	v33 =	vmul.f32 v21, v33;
	v35 =	vld.idx.msk [tilespmem:v35+s24+$0x0], $0xffff  }
0xe2: {  	v41 =	vsub.f32 v20, v9;
	v31 =	vsub.f32 v36, v9;
	v52 =	vcvt.f32.s32 v32;
	v21 =	vmovc v43  }
0xe3: {  	v43 =	vsub.f32 v45, v9;
	v28 =	vmin.f32 v29, v10;
	v44 =	vmul.f32 v22, v44;
	v53 =	vld.idx.msk [tilespmem:v30+s23+$0x0], $0xffff  }
0xe4: {  	v22 =	vmovc v36;
	vm7 =	vlt.s32 v52, $0x1E;
	v40 =	vmul.f32 v27, v40;
	v27 =	vmin.f32 v49, v10  }
0xe5: {  	v36 =	vmul.f32 v48, v12;
	v29 =	vadd.f32 v33, v42;
	v32 =	vsub.f32 v27, v9;
	v30 =	vld.idx.msk [tilespmem:v30+s24+$0x0], $0xffff  }
0xe6: {  	v37 =	vmin.f32 v37, v10;
	v33 =	vmul.f32 v41, v12;
	v41 =	vld.idx.msk [tilespmem:v38+s24+$0x0], $0xffff;
	v38 =	vadd.f32 v40, v46  }
0xe7: {  	v36 =	vtrunc.f32 v36;
	v42 =	vmul.f32 v25, v51;
	v25 =	vmovc v37;
	v40 =	vsub.f32 v28, v9;
	v46 =	vld.idx.msk [tilespmem:v39+s24+$0x0], $0xffff  }
0xe8: {  	v37 =	vtrunc.f32 v33;
	v33 =	vcvt.f32.s32 v36;
	v36 =	vsel vm6, v11, v38  }
.Ltmp3:
0xe9: {  	v34 =	vadd.f32 v34, v35;
	v40 =	vmul.f32 v40, v12;
	v48 =	vmul.f32 v23, v53;
	[tilespmem:s0+$0x10] =	vst v36;
	(pc) =	sbr.rel @p1 .LBB2_8-.Ltmp3, $4  }
0xea: {  	v49 =	vsub.f32 v25, v9;
	v39 =	vcvt.f32.s32 v37;
	v38 =	vnsel vm7, $0x1E, v52;
	v23 =	vmovc v45  }
0xeb: {  	v43 =	vmul.f32 v43, v12;
	v35 =	vtrunc.f32 v40;
	v40 =	vadd.f32 v48, v30  }
0xec: {  	v36 =	vadd.f32 v42, v47;
	v35 =	vcvt.f32.s32 v35;
	v37 =	vadd.f32 v44, v41  }
0xed: {  	s19 =	sadd.s32 $0x80, s19;
	v42 =	vmul.f32 v49, v12;
	v30 =	vtrunc.f32 v43;
	v41 =	vadd.f32 v50, v46  }
0xee: {  	vm6 =	vlt.s32 v39, $0x1E  }
0xef: {  	vm7 =	vlt.s32 v33, $0x1E;
	v39 =	vnsel vm6, $0x1E, v39  }
0xf0: {  	v32 =	vmul.f32 v32, v12;
	vm12 =	vlt.s32 v35, $0x1E;
	v33 =	vnsel vm7, $0x1E, v33  }
0xf1: {  	v30 =	vcvt.f32.s32 v30;
	v35 =	vnsel vm12, $0x1E, v35  }
0xf2: {  	v31 =	vmul.f32 v31, v12;
	v43 =	vld.idx.msk [tilespmem:v38+s24+$0x0], $0xffff;
	v32 =	vtrunc.f32 v32  }
0xf3: {  	v63 =	vld.idx.msk [tilespmem:v38+s23+$0x0], $0xffff;
	v42 =	vtrunc.f32 v42;
	vm15 =	vlt.s32 v30, $0x1E;
	v32 =	vcvt.f32.s32 v32  }
0xf4: {  	v42 =	vcvt.f32.s32 v42;
	v30 =	vnsel vm15, $0x1E, v30;
	v44 =	vld.idx.msk [tilespmem:v39+s23+$0x0], $0xffff  }
0xf5: {  	v31 =	vtrunc.f32 v31;
	vm14 =	vlt.s32 v32, $0x1E;
	v45 =	vld.idx.msk [tilespmem:v33+s24+$0x0], $0xffff  }
0xf6: {  	v31 =	vcvt.f32.s32 v31;
	vm7 =	vlt.s32 v42, $0x1E;
	v32 =	vnsel vm14, $0x1E, v32;
	v46 =	vld.idx.msk [tilespmem:v35+s23+$0x0], $0xffff  }
0xf7: {  	v51 =	vnsel vm7, $0x1E, v42;
	v33 =	vld.idx.msk [tilespmem:v33+s23+$0x0], $0xffff  }
0xf8: {  	vm13 =	vlt.s32 v31, $0x1E;
	v53 =	vld.idx.msk [tilespmem:v35+s24+$0x0], $0xffff  }
0xf9: {  	v31 =	vnsel vm13, $0x1E, v31;
	v52 =	vld.idx.msk [tilespmem:v30+s23+$0x0], $0xffff  }
0xfa: {  	v30 =	vld.idx.msk [tilespmem:v30+s24+$0x0], $0xffff  }
0xfb: {  	v34 =	vsel vm2, v11, v34;
	v48 =	vld.idx.msk [tilespmem:v32+s23+$0x0], $0xffff  }
0xfc: {  	v50 =	vsel vm4, v11, v40;
	v37 =	vsel vm5, v11, v37;
	vm8 =	veq.f32 v15, $1.110999970e+01;
	[tilespmem:s0+$0x20] =	vst v34;
	v57 =	vld.idx.msk [tilespmem:v51+s23+$0x0], $0xffff  }
0xfd: {  	v36 =	vsel vm1, v11, v36;
	v29 =	vsel vm0, v11, v29;
	vm9 =	veq.f32 v17, $1.110999970e+01;
	[tilespmem:s0+$0xFFFFFFF0] =	vst v50;
	v32 =	vld.idx.msk [tilespmem:v32+s24+$0x0], $0xffff  }
0xfe: {  	vm10 =	veq.f32 v24, $1.110999970e+01;
	vm11 =	veq.f32 v19, $1.110999970e+01;
	[tilespmem:s0+$0xFFFFFFC0] =	vst v37;
	v15 =	vmul.f32 v26, v63;
	v47 =	vld.idx.msk [tilespmem:v31+s23+$0x0], $0xffff  }
0xff: {  	v54 =	vsel vm3, v11, v41;
	[tilespmem:s0+$0x0] =	vst v29;
	vm12 =	veq.f32 v14, $1.110999970e+01;
	v60 =	vld.idx.msk [tilespmem:v51+s24+$0x0], $0xffff;
	v58 =	vmul.f32 v28, v46  }
0x100: {  	[tilespmem:s0+$0xFFFFFFE0] =	vst v36;
	vm15 =	veq.f32 v18, $1.110999970e+01;
	v15 =	vadd.f32 v15, v43;
	v56 =	vld.idx.msk [tilespmem:v31+s24+$0x0], $0xffff;
	v55 =	vmul.f32 v27, v48  }
0x101: {  	[tilespmem:s0+$0xFFFFFFD0] =	vst v54;
	vm14 =	veq.f32 v13, $1.110999970e+01;
	v23 =	vmul.f32 v23, v52;
	v24 =	vadd.f32 v58, v53  }
0x102: {  	v59 =	vld.idx.msk [tilespmem:v39+s24+$0x0], $0xffff;
	v15 =	vsel vm12, v11, v15;
	v19 =	vmul.f32 v25, v57;
	v14 =	vadd.f32 v55, v32  }
0x103: {  	[tilespmem:s31+$0x30] =	vst v15;
	v61 =	vadd.f32 v23, v30;
	v62 =	vsel vm8, v11, v24;
	v22 =	vmul.f32 v22, v47  }
0x104: {  	v15 =	vmul.f32 v21, v33;
	[tilespmem:s31+$0x20] =	vst v62;
	v13 =	vadd.f32 v19, v60;
	v14 =	vsel vm11, v11, v14  }
0x105: {  	v20 =	vmul.f32 v20, v44;
	v21 =	vsel vm9, v11, v61;
	[tilespmem:s31+$0x10] =	vst v14;
	v14 =	vadd.f32 v22, v56  }
0x106: {  	v15 =	vadd.f32 v15, v45;
	[tilespmem:s31+$0xFFFFFFF0] =	vst v21;
	v13 =	vsel vm15, v11, v13  }
0x107: {  	vm13 =	veq.f32 v16, $1.110999970e+01;
	v63 =	vadd.f32 v20, v59;
	[tilespmem:s31+$0xFFFFFFE0] =	vst v13;
	v14 =	vsel vm10, v11, v14  }
0x108: {  	[tilespmem:s31+$0xFFFFFFC0] =	vst v14;
	v14 =	vsel vm13, v11, v15  }
0x109: {  	v15 =	vsel vm14, v11, v63;
	[tilespmem:s31+$0x0] =	vst v14  }
0x10a: {  	s0 =	simm.s32 $0x3BF0;
	[tilespmem:s31+$0xFFFFFFD0] =	vst v15  }
.LBB2_10:
0x10b: {  	v13 =	vld [tilespmem:s28+$0x0];
	_ =	sdelay $0x4  }
0x10c: {  	v14 =	vmax.f32 v13, v9  }
0x10d: {  	v14 =	vmin.f32 v14, v10  }
0x10e: {  	v15 =	vsub.f32 v14, v9;
	_ =	sdelay $0x1  }
0x10f: {  	v15 =	vmul.f32 v15, v12;
	_ =	sdelay $0x1  }
0x110: {  	v15 =	vtrunc.f32 v15  }
0x111: {  	v15 =	vcvt.f32.s32 v15;
	_ =	sdelay $0x1  }
0x112: {  	vm0 =	vlt.s32 v15, $0x1E  }
0x113: {  	v15 =	vnsel vm0, $0x1E, v15;
	_ =	sdelay $0x4  }
0x114: {  	v16 =	vld.idx.msk [tilespmem:v15+s23+$0x0], $0xffff;
	_ =	sdelay $0x1  }
0x115: {  	v15 =	vld.idx.msk [tilespmem:v15+s24+$0x0], $0xffff;
	_ =	sdelay $0x1  }
0x116: {  	s0 =	sadd.s32 $0x10, s0  }
0x117: {  	p1 =	slt.u32 s0, $0x3C20;
	v14 =	vmul.f32 v14, v16  }
.Ltmp4:
0x118: {  	_ = 	snop;
	(pc) =	sbr.rel @p1 .LBB2_10-.Ltmp4, $4  }
0x119: {  	v14 =	vadd.f32 v14, v15  }
0x11a: {  	vm15 =	veq.f32 v13, $1.110999970e+01  }
0x11b: {  	v13 =	vsel vm15, v11, v14  }
0x11c: {  	s28 =	sadd.s32 $0x10, s28;
	[tilespmem:s15+$0x0] =	vst v13;
	s15 =	sadd.s32 $0x10, s15  }
0x11d: {  	s0 =	simm.s32 $0x7A80  }
0x11e: {  	[hbm4b:s12+s4] =	stream.linear.scatter [tilespmem:s0], [sflag:$0x3], $0x3C30, $0x38;
	[tilespmem:$0xF880] =	vst v63  }
0x11f: {  	_ =	swait.ge [sflag:s26], $0x3C30  }
0x120: {  	[sflag:s26] =	ssyncset.done $0x0  }
0x121: {  	s15 =	simm.s32 $0x3CA0;
	[sflag:s26] =	ssyncadd.s32 $0xFFFFC3D0  }
0x122: {  	v13 =	vld [tilespmem:s15+$0xFFFFFFF0]  }
0x123: {  	v18 =	vld [tilespmem:s15+$0x0]  }
0x124: {  	v20 =	vld [tilespmem:s15+$0xFFFFFFA0]  }
0x125: {  	v23 =	vld [tilespmem:s15+$0xFFFFFFE0]  }
0x126: {  	v19 =	vld [tilespmem:s15+$0xFFFFFFD0]  }
0x127: {  	v22 =	vld [tilespmem:s15+$0xFFFFFF90];
	_ =	sdelay $0x1  }
0x128: {  	v14 =	vmax.f32 v18, v9  }
0x129: {  	v21 =	vld [tilespmem:s15+$0xFFFFFFC0];
	v15 =	vmax.f32 v20, v9;
	v17 =	vmax.f32 v13, v9;
	v29 =	vmax.f32 v23, v9  }
0x12a: {  	vm2 =	veq.f32 v13, $1.110999970e+01;
	vm7 =	veq.f32 v18, $1.110999970e+01;
	v24 =	vmin.f32 v14, v10  }
0x12b: {  	v14 =	vmax.f32 v19, v9;
	v28 =	vmin.f32 v15, v10;
	v15 =	vmax.f32 v22, v9  }
0x12c: {  	v25 =	vld [tilespmem:s15+$0xFFFFFFB0];
	v33 =	vmin.f32 v17, v10;
	v16 =	vsub.f32 v24, v9;
	v27 =	vmin.f32 v14, v10  }
0x12d: {  	v32 =	vmin.f32 v15, v10;
	v15 =	vsub.f32 v28, v9;
	v26 =	vsub.f32 v27, v9  }
0x12e: {  	v14 =	vmax.f32 v21, v9;
	v35 =	vsub.f32 v32, v9;
	v16 =	vmul.f32 v16, v12  }
0x12f: {  	v30 =	vmin.f32 v14, v10;
	v15 =	vmul.f32 v15, v12;
	v17 =	vmul.f32 v26, v12  }
0x130: {  	v31 =	vsub.f32 v30, v9;
	v35 =	vmul.f32 v35, v12;
	v14 =	vtrunc.f32 v16  }
0x131: {  	v16 =	vmax.f32 v25, v9;
	v15 =	vtrunc.f32 v15;
	v14 =	vcvt.f32.s32 v14  }
0x132: {  	v34 =	vmin.f32 v16, v10;
	v16 =	vsub.f32 v33, v9;
	v17 =	vtrunc.f32 v17  }
0x133: {  	v36 =	vcvt.f32.s32 v15;
	v26 =	vsub.f32 v34, v9;
	vm0 =	vlt.s32 v14, $0x1E  }
0x134: {  	s19 =	simm.s32 $0x3D20;
	v17 =	vcvt.f32.s32 v17;
	v16 =	vmul.f32 v16, v12;
	v14 =	vnsel vm0, $0x1E, v14  }
0x135: {  	v13 =	vld [tilespmem:s19+$0xFFFFFFA0];
	v29 =	vmin.f32 v29, v10;
	v15 =	vmul.f32 v26, v12;
	v26 =	vmul.f32 v31, v12  }
0x136: {  	v18 =	vld [tilespmem:s19+$0xFFFFFFB0];
	v31 =	vsub.f32 v29, v9;
	vm0 =	vlt.s32 v36, $0x1E;
	v16 =	vtrunc.f32 v16  }
0x137: {  	v36 =	vnsel vm0, $0x1E, v36;
	vm0 =	vlt.s32 v17, $0x1E;
	v37 =	vtrunc.f32 v15;
	v15 =	vld [tilespmem:s19+$0xFFFFFFF0]  }
0x138: {  	v16 =	vcvt.f32.s32 v16;
	v38 =	vtrunc.f32 v26;
	v40 =	vnsel vm0, $0x1E, v17;
	v17 =	vld [tilespmem:s19+$0xFFFFFFC0]  }
0x139: {  	v31 =	vmul.f32 v31, v12;
	v26 =	vcvt.f32.s32 v37;
	v62 =	vld.idx.msk [tilespmem:v14+s23+$0x0], $0xffff  }
0x13a: {  	vm4 =	veq.f32 v21, $1.110999970e+01;
	v35 =	vtrunc.f32 v35;
	v39 =	vld.idx.msk [tilespmem:v14+s24+$0x0], $0xffff  }
0x13b: {  	vm0 =	vlt.s32 v16, $0x1E;
	v31 =	vtrunc.f32 v31;
	vm1 =	vlt.s32 v26, $0x1E;
	v14 =	vld [tilespmem:s19+$0x0]  }
0x13c: {  	v63 =	vnsel vm0, $0x1E, v16;
	v16 =	vld [tilespmem:s19+$0xFFFFFFD0];
	v41 =	vnsel vm1, $0x1E, v26;
	v26 =	vcvt.f32.s32 v35  }
0x13d: {  	vm0 =	veq.f32 v19, $1.110999970e+01;
	v19 =	vld [tilespmem:s19+$0xFFFFFFE0];
	vm1 =	veq.f32 v25, $1.110999970e+01;
	v25 =	vcvt.f32.s32 v31  }
0x13e: {  	vm6 =	veq.f32 v23, $1.110999970e+01;
	v31 =	vld.idx.msk [tilespmem:v36+s23+$0x0], $0xffff;
	v57 =	vmax.f32 v15, v9;
	vm3 =	vlt.s32 v26, $0x1E  }
0x13f: {  	v58 =	vld.idx.msk [tilespmem:v40+s23+$0x0], $0xffff;
	v44 =	vmax.f32 v17, v9;
	vm5 =	vlt.s32 v25, $0x1E;
	v56 =	vnsel vm3, $0x1E, v26  }
0x140: {  	v40 =	vld.idx.msk [tilespmem:v40+s24+$0x0], $0xffff;
	vm3 =	veq.f32 v20, $1.110999970e+01;
	v25 =	vnsel vm5, $0x1E, v25;
	vm5 =	veq.f32 v22, $1.110999970e+01  }
0x141: {  	v24 =	vmul.f32 v24, v62;
	v21 =	vmax.f32 v16, v9;
	v22 =	vmax.f32 v14, v9;
	v42 =	vld.idx.msk [tilespmem:v63+s23+$0x0], $0xffff  }
0x142: {  	v51 =	vmax.f32 v19, v9;
	v35 =	vld.idx.msk [tilespmem:v63+s24+$0x0], $0xffff;
	v26 =	vmin.f32 v22, v10;
	v22 =	vcvt.f32.s32 v38  }
0x143: {  	v21 =	vmin.f32 v21, v10;
	v52 =	vmul.f32 v28, v31;
	v60 =	vld.idx.msk [tilespmem:v41+s23+$0x0], $0xffff;
	v20 =	vadd.f32 v24, v39  }
0x144: {  	v41 =	vld.idx.msk [tilespmem:v41+s24+$0x0], $0xffff;
	v23 =	vsub.f32 v26, v9;
	v50 =	vsub.f32 v21, v9;
	v38 =	vmul.f32 v27, v58  }
0x145: {  	v24 =	vld [tilespmem:s19+$0xFFFFFF90];
	v27 =	vmin.f32 v51, v10;
	v43 =	vsel vm7, v11, v20;
	v20 =	vmax.f32 v13, v9  }
0x146: {  	vm7 =	vlt.s32 v22, $0x1E;
	v47 =	vmul.f32 v23, v12;
	v49 =	vld.idx.msk [tilespmem:v25+s23+$0x0], $0xffff;
	v23 =	vmin.f32 v44, v10  }
0x147: {  	v59 =	vld.idx.msk [tilespmem:v25+s24+$0x0], $0xffff;
	v25 =	vmax.f32 v18, v9;
	v50 =	vmul.f32 v50, v12;
	v48 =	vnsel vm7, $0x1E, v22  }
0x148: {  	v58 =	vld.idx.msk [tilespmem:v36+s24+$0x0], $0xffff;
	v20 =	vmin.f32 v20, v10;
	v42 =	vmul.f32 v33, v42;
	v53 =	vsub.f32 v23, v9  }
0x149: {  	v45 =	vld.idx.msk [tilespmem:v56+s23+$0x0], $0xffff;
	v25 =	vmin.f32 v25, v10;
	v28 =	vtrunc.f32 v47;
	v61 =	vsub.f32 v20, v9  }
0x14a: {  	v37 =	vld.idx.msk [tilespmem:v56+s24+$0x0], $0xffff;
	v56 =	vtrunc.f32 v50;
	v44 =	vmul.f32 v34, v60;
	v46 =	vmax.f32 v24, v9  }
0x14b: {  	v47 =	vcvt.f32.s32 v28;
	v28 =	vmin.f32 v57, v10;
	v33 =	vcvt.f32.s32 v56  }
0x14c: {  	v34 =	vadd.f32 v42, v35;
	v22 =	vmin.f32 v46, v10;
	v57 =	vsub.f32 v28, v9;
	v63 =	vld.idx.msk [tilespmem:v48+s23+$0x0], $0xffff  }
0x14d: {  	v55 =	vmul.f32 v61, v12;
	v61 =	vsub.f32 v25, v9;
	v36 =	vadd.f32 v44, v41  }
0x14e: {  	v41 =	vadd.f32 v52, v58;
	v31 =	vsub.f32 v22, v9;
	v62 =	vmul.f32 v29, v49;
	v54 =	vld.idx.msk [tilespmem:v48+s24+$0x0], $0xffff  }
0x14f: {  	v45 =	vmul.f32 v32, v45;
	vm7 =	vlt.s32 v47, $0x1E;
	v29 =	vadd.f32 v38, v40  }
0x150: {  	v32 =	vsub.f32 v27, v9;
	v46 =	vmul.f32 v57, v12;
	v39 =	vadd.f32 v62, v59  }
0x151: {  	v38 =	vnsel vm7, $0x1E, v47;
	v42 =	vmul.f32 v61, v12;
	v30 =	vmul.f32 v30, v63  }
0x152: {  	s0 =	simm.s32 $0xB720;
	v59 =	vtrunc.f32 v55;
	v62 =	vmul.f32 v53, v12;
	v60 =	vsel vm6, v11, v39  }
0x153: {  	s28 =	simm.s32 $0x7830;
	s2 =	simm.s32 $0x3CB0;
	s3 =	simm.s32 $0xB7A0;
	[tilespmem:s0+$0x0] =	vst v43;
	v39 =	vcvt.f32.s32 v59;
	v63 =	vtrunc.f32 v46;
	v40 =	vadd.f32 v30, v54  }
0x154: {  	s31 =	simm.s32 $0xB7A0;
	s15 =	simm.s32 $0xF2B0;
	s19 =	simm.s32 $0x3DA0;
	v37 =	vadd.f32 v45, v37;
	[tilespmem:s0+$0xFFFFFFE0] =	vst v60;
	v35 =	vcvt.f32.s32 v63;
	v30 =	vtrunc.f32 v62  }
.LBB2_12:
0x155: {  	v43 =	vld [tilespmem:s19+$0xFFFFFFF0];
	s2 =	sadd.s32 $0x80, s2;
	vm6 =	vlt.s32 v39, $0x1E;
	s3 =	sadd.s32 $0x80, s3;
	v40 =	vsel vm4, v11, v40;
	v34 =	vsel vm2, v11, v34  }
0x156: {  	v36 =	vsel vm1, v11, v36;
	p1 =	slt.u32 s2, $0x77B0;
	v42 =	vtrunc.f32 v42;
	v44 =	vld.idx.msk [tilespmem:v38+s24+$0x0], $0xffff;
	v41 =	vsel vm3, v11, v41;
	[tilespmem:s0+$0xFFFFFFF0] =	vst v34  }
0x157: {  	v31 =	vmul.f32 v31, v12;
	v37 =	vsel vm5, v11, v37;
	v34 =	vcvt.f32.s32 v42;
	v38 =	vld.idx.msk [tilespmem:v38+s23+$0x0], $0xffff;
	[tilespmem:s0+$0xFFFFFFC0] =	vst v40  }
0x158: {  	vm1 =	vlt.s32 v33, $0x1E;
	v29 =	vsel vm0, v11, v29;
	v39 =	vnsel vm6, $0x1E, v39;
	v40 =	vld [tilespmem:s19+$0xFFFFFFC0];
	[tilespmem:s0+$0xFFFFFF90] =	vst v37  }
0x159: {  	v32 =	vmul.f32 v32, v12;
	v33 =	vnsel vm1, $0x1E, v33;
	v37 =	vld [tilespmem:s19+$0xFFFFFFA0];
	vm0 =	vlt.s32 v34, $0x1E;
	[tilespmem:s0+$0xFFFFFFD0] =	vst v29  }
0x15a: {  	v31 =	vtrunc.f32 v31;
	v29 =	vld [tilespmem:s19+$0x0];
	v34 =	vnsel vm0, $0x1E, v34;
	vm0 =	vlt.s32 v35, $0x1E;
	[tilespmem:s0+$0xFFFFFFA0] =	vst v41  }
0x15b: {  	v32 =	vtrunc.f32 v32;
	v31 =	vcvt.f32.s32 v31;
	v41 =	vld [tilespmem:s19+$0xFFFFFFD0];
	v35 =	vnsel vm0, $0x1E, v35;
	[tilespmem:s0+$0xFFFFFFB0] =	vst v36;
	s0 =	smov.u32 s31;
	s31 =	smov.u32 s3  }
0x15c: {  	vm2 =	veq.f32 v15, $1.110999970e+01;
	vm1 =	veq.f32 v18, $1.110999970e+01;
	v18 =	vcvt.f32.s32 v32;
	v15 =	vmovc v43;
	v36 =	vld [tilespmem:s19+$0xFFFFFFE0]  }
0x15d: {  	vm3 =	vlt.s32 v31, $0x1E;
	vm0 =	veq.f32 v16, $1.110999970e+01;
	v26 =	vmul.f32 v26, v38;
	v32 =	vld.idx.msk [tilespmem:v39+s23+$0x0], $0xffff  }
0x15e: {  	vm4 =	veq.f32 v17, $1.110999970e+01;
	vm5 =	vlt.s32 v18, $0x1E;
	v38 =	vnsel vm3, $0x1E, v31;
	v17 =	vmovc v40;
	v42 =	vld.idx.msk [tilespmem:v33+s24+$0x0], $0xffff  }
0x15f: {  	vm3 =	veq.f32 v13, $1.110999970e+01;
	v40 =	vnsel vm5, $0x1E, v18;
	v43 =	vadd.f32 v26, v44;
	v13 =	vmovc v37;
	v31 =	vld [tilespmem:s19+$0xFFFFFF90]  }
0x160: {  	vm7 =	veq.f32 v14, $1.110999970e+01;
	vm6 =	veq.f32 v19, $1.110999970e+01;
	vm5 =	veq.f32 v24, $1.110999970e+01;
	v14 =	vmovc v29;
	v18 =	vld [tilespmem:s19+$0xFFFFFFB0];
	v16 =	vmovc v41  }
0x161: {  	v29 =	vmax.f32 v15, v9;
	v44 =	vmax.f32 v14, v9;
	v24 =	vmax.f32 v16, v9;
	v37 =	vld.idx.msk [tilespmem:v35+s23+$0x0], $0xffff  }
0x162: {  	v30 =	vcvt.f32.s32 v30;
	v41 =	vsel vm7, v11, v43;
	v26 =	vmin.f32 v44, v10;
	v19 =	vmovc v36;
	v33 =	vld.idx.msk [tilespmem:v33+s23+$0x0], $0xffff  }
0x163: {  	v36 =	vmax.f32 v13, v9;
	v43 =	vmin.f32 v24, v10;
	v48 =	vsub.f32 v26, v9;
	v44 =	vld.idx.msk [tilespmem:v38+s23+$0x0], $0xffff  }
0x164: {  	v45 =	vmax.f32 v17, v9;
	vm7 =	vlt.s32 v30, $0x1E;
	v36 =	vmin.f32 v36, v10;
	v46 =	vld.idx.msk [tilespmem:v40+s24+$0x0], $0xffff;
	[tilespmem:s0+$0x0] =	vst v41  }
0x165: {  	v30 =	vnsel vm7, $0x1E, v30;
	v41 =	vmax.f32 v31, v9;
	v47 =	vmul.f32 v48, v12;
	v24 =	vmovc v31;
	v40 =	vld.idx.msk [tilespmem:v40+s23+$0x0], $0xffff  }
0x166: {  	v49 =	vmax.f32 v19, v9;
	v50 =	vmul.f32 v20, v32;
	v48 =	vsub.f32 v43, v9;
	v51 =	vld.idx.msk [tilespmem:v34+s23+$0x0], $0xffff  }
0x167: {  	v45 =	vmin.f32 v45, v10;
	v20 =	vmovc v36;
	v32 =	vtrunc.f32 v47;
	v47 =	vld.idx.msk [tilespmem:v34+s24+$0x0], $0xffff;
	v34 =	vmul.f32 v28, v37  }
0x168: {  	v36 =	vmin.f32 v41, v10;
	v37 =	vmax.f32 v18, v9;
	v33 =	vmul.f32 v21, v33;
	v35 =	vld.idx.msk [tilespmem:v35+s24+$0x0], $0xffff  }
0x169: {  	v41 =	vsub.f32 v20, v9;
	v31 =	vsub.f32 v36, v9;
	v52 =	vcvt.f32.s32 v32;
	v21 =	vmovc v43  }
0x16a: {  	v43 =	vsub.f32 v45, v9;
	v28 =	vmin.f32 v29, v10;
	v44 =	vmul.f32 v22, v44;
	v53 =	vld.idx.msk [tilespmem:v30+s23+$0x0], $0xffff  }
0x16b: {  	v22 =	vmovc v36;
	vm7 =	vlt.s32 v52, $0x1E;
	v40 =	vmul.f32 v27, v40;
	v27 =	vmin.f32 v49, v10  }
0x16c: {  	v36 =	vmul.f32 v48, v12;
	v29 =	vadd.f32 v33, v42;
	v32 =	vsub.f32 v27, v9;
	v30 =	vld.idx.msk [tilespmem:v30+s24+$0x0], $0xffff  }
0x16d: {  	v37 =	vmin.f32 v37, v10;
	v33 =	vmul.f32 v41, v12;
	v41 =	vld.idx.msk [tilespmem:v38+s24+$0x0], $0xffff;
	v38 =	vadd.f32 v40, v46  }
0x16e: {  	v36 =	vtrunc.f32 v36;
	v42 =	vmul.f32 v25, v51;
	v25 =	vmovc v37;
	v40 =	vsub.f32 v28, v9;
	v46 =	vld.idx.msk [tilespmem:v39+s24+$0x0], $0xffff  }
0x16f: {  	v37 =	vtrunc.f32 v33;
	v33 =	vcvt.f32.s32 v36;
	v36 =	vsel vm6, v11, v38  }
.Ltmp5:
0x170: {  	v34 =	vadd.f32 v34, v35;
	v40 =	vmul.f32 v40, v12;
	v48 =	vmul.f32 v23, v53;
	[tilespmem:s0+$0xFFFFFFE0] =	vst v36;
	(pc) =	sbr.rel @p1 .LBB2_12-.Ltmp5, $4  }
0x171: {  	v49 =	vsub.f32 v25, v9;
	v39 =	vcvt.f32.s32 v37;
	v38 =	vnsel vm7, $0x1E, v52;
	v23 =	vmovc v45  }
0x172: {  	v43 =	vmul.f32 v43, v12;
	v35 =	vtrunc.f32 v40;
	v40 =	vadd.f32 v48, v30  }
0x173: {  	v36 =	vadd.f32 v42, v47;
	v35 =	vcvt.f32.s32 v35;
	v37 =	vadd.f32 v44, v41  }
0x174: {  	s19 =	sadd.s32 $0x80, s19;
	v42 =	vmul.f32 v49, v12;
	v30 =	vtrunc.f32 v43;
	v41 =	vadd.f32 v50, v46  }
0x175: {  	vm6 =	vlt.s32 v39, $0x1E  }
0x176: {  	vm7 =	vlt.s32 v33, $0x1E;
	v39 =	vnsel vm6, $0x1E, v39  }
0x177: {  	v32 =	vmul.f32 v32, v12;
	vm12 =	vlt.s32 v35, $0x1E;
	v33 =	vnsel vm7, $0x1E, v33  }
0x178: {  	v30 =	vcvt.f32.s32 v30;
	v35 =	vnsel vm12, $0x1E, v35  }
0x179: {  	v31 =	vmul.f32 v31, v12;
	v43 =	vld.idx.msk [tilespmem:v38+s24+$0x0], $0xffff;
	v32 =	vtrunc.f32 v32  }
0x17a: {  	v63 =	vld.idx.msk [tilespmem:v38+s23+$0x0], $0xffff;
	v42 =	vtrunc.f32 v42;
	vm15 =	vlt.s32 v30, $0x1E;
	v32 =	vcvt.f32.s32 v32  }
0x17b: {  	v42 =	vcvt.f32.s32 v42;
	v30 =	vnsel vm15, $0x1E, v30;
	v44 =	vld.idx.msk [tilespmem:v39+s23+$0x0], $0xffff  }
0x17c: {  	v31 =	vtrunc.f32 v31;
	vm14 =	vlt.s32 v32, $0x1E;
	v45 =	vld.idx.msk [tilespmem:v33+s24+$0x0], $0xffff  }
0x17d: {  	v31 =	vcvt.f32.s32 v31;
	vm7 =	vlt.s32 v42, $0x1E;
	v32 =	vnsel vm14, $0x1E, v32;
	v46 =	vld.idx.msk [tilespmem:v35+s23+$0x0], $0xffff  }
0x17e: {  	v51 =	vnsel vm7, $0x1E, v42;
	v33 =	vld.idx.msk [tilespmem:v33+s23+$0x0], $0xffff  }
0x17f: {  	vm13 =	vlt.s32 v31, $0x1E;
	v53 =	vld.idx.msk [tilespmem:v35+s24+$0x0], $0xffff  }
0x180: {  	v31 =	vnsel vm13, $0x1E, v31;
	v52 =	vld.idx.msk [tilespmem:v30+s23+$0x0], $0xffff  }
0x181: {  	v30 =	vld.idx.msk [tilespmem:v30+s24+$0x0], $0xffff  }
0x182: {  	v34 =	vsel vm2, v11, v34;
	v48 =	vld.idx.msk [tilespmem:v32+s23+$0x0], $0xffff  }
0x183: {  	v50 =	vsel vm4, v11, v40;
	v37 =	vsel vm5, v11, v37;
	vm8 =	veq.f32 v15, $1.110999970e+01;
	[tilespmem:s0+$0xFFFFFFF0] =	vst v34;
	v57 =	vld.idx.msk [tilespmem:v51+s23+$0x0], $0xffff  }
0x184: {  	v36 =	vsel vm1, v11, v36;
	v29 =	vsel vm0, v11, v29;
	vm9 =	veq.f32 v17, $1.110999970e+01;
	[tilespmem:s0+$0xFFFFFFC0] =	vst v50;
	v32 =	vld.idx.msk [tilespmem:v32+s24+$0x0], $0xffff  }
0x185: {  	vm10 =	veq.f32 v24, $1.110999970e+01;
	vm11 =	veq.f32 v19, $1.110999970e+01;
	[tilespmem:s0+$0xFFFFFF90] =	vst v37;
	v15 =	vmul.f32 v26, v63;
	v47 =	vld.idx.msk [tilespmem:v31+s23+$0x0], $0xffff  }
0x186: {  	v54 =	vsel vm3, v11, v41;
	[tilespmem:s0+$0xFFFFFFD0] =	vst v29;
	vm12 =	veq.f32 v14, $1.110999970e+01;
	v60 =	vld.idx.msk [tilespmem:v51+s24+$0x0], $0xffff;
	v58 =	vmul.f32 v28, v46  }
0x187: {  	[tilespmem:s0+$0xFFFFFFB0] =	vst v36;
	vm15 =	veq.f32 v18, $1.110999970e+01;
	v15 =	vadd.f32 v15, v43;
	v56 =	vld.idx.msk [tilespmem:v31+s24+$0x0], $0xffff;
	v55 =	vmul.f32 v27, v48  }
0x188: {  	[tilespmem:s0+$0xFFFFFFA0] =	vst v54;
	vm14 =	veq.f32 v13, $1.110999970e+01;
	v23 =	vmul.f32 v23, v52;
	v24 =	vadd.f32 v58, v53  }
0x189: {  	v59 =	vld.idx.msk [tilespmem:v39+s24+$0x0], $0xffff;
	v15 =	vsel vm12, v11, v15;
	v19 =	vmul.f32 v25, v57;
	v14 =	vadd.f32 v55, v32  }
0x18a: {  	[tilespmem:s31+$0x0] =	vst v15;
	v61 =	vadd.f32 v23, v30;
	v62 =	vsel vm8, v11, v24;
	v22 =	vmul.f32 v22, v47  }
0x18b: {  	v15 =	vmul.f32 v21, v33;
	[tilespmem:s31+$0xFFFFFFF0] =	vst v62;
	v13 =	vadd.f32 v19, v60;
	v14 =	vsel vm11, v11, v14  }
0x18c: {  	v20 =	vmul.f32 v20, v44;
	v21 =	vsel vm9, v11, v61;
	[tilespmem:s31+$0xFFFFFFE0] =	vst v14;
	v14 =	vadd.f32 v22, v56  }
0x18d: {  	v15 =	vadd.f32 v15, v45;
	[tilespmem:s31+$0xFFFFFFC0] =	vst v21;
	v13 =	vsel vm15, v11, v13  }
0x18e: {  	vm13 =	veq.f32 v16, $1.110999970e+01;
	v63 =	vadd.f32 v20, v59;
	[tilespmem:s31+$0xFFFFFFB0] =	vst v13;
	v14 =	vsel vm10, v11, v14  }
0x18f: {  	[tilespmem:s31+$0xFFFFFF90] =	vst v14;
	v14 =	vsel vm13, v11, v15  }
0x190: {  	v15 =	vsel vm14, v11, v63;
	[tilespmem:s31+$0xFFFFFFD0] =	vst v14  }
0x191: {  	s0 =	simm.s32 $0x7820;
	[tilespmem:s31+$0xFFFFFFA0] =	vst v15  }
.LBB2_14:
0x192: {  	v13 =	vld [tilespmem:s28+$0x0];
	_ =	sdelay $0x4  }
0x193: {  	v14 =	vmax.f32 v13, v9  }
0x194: {  	v14 =	vmin.f32 v14, v10  }
0x195: {  	v15 =	vsub.f32 v14, v9;
	_ =	sdelay $0x1  }
0x196: {  	v15 =	vmul.f32 v15, v12;
	_ =	sdelay $0x1  }
0x197: {  	v15 =	vtrunc.f32 v15  }
0x198: {  	v15 =	vcvt.f32.s32 v15;
	_ =	sdelay $0x1  }
0x199: {  	vm0 =	vlt.s32 v15, $0x1E  }
0x19a: {  	v15 =	vnsel vm0, $0x1E, v15;
	_ =	sdelay $0x4  }
0x19b: {  	v16 =	vld.idx.msk [tilespmem:v15+s23+$0x0], $0xffff;
	_ =	sdelay $0x1  }
0x19c: {  	v15 =	vld.idx.msk [tilespmem:v15+s24+$0x0], $0xffff;
	_ =	sdelay $0x1  }
0x19d: {  	s0 =	sadd.s32 $0x10, s0  }
0x19e: {  	p1 =	slt.u32 s0, $0x7850;
	v14 =	vmul.f32 v14, v16  }
.Ltmp6:
0x19f: {  	_ = 	snop;
	(pc) =	sbr.rel @p1 .LBB2_14-.Ltmp6, $4  }
0x1a0: {  	v14 =	vadd.f32 v14, v15  }
0x1a1: {  	vm15 =	veq.f32 v13, $1.110999970e+01  }
0x1a2: {  	v13 =	vsel vm15, v11, v14  }
0x1a3: {  	s28 =	sadd.s32 $0x10, s28;
	[tilespmem:s15+$0x0] =	vst v13;
	s15 =	sadd.s32 $0x10, s15  }
0x1a4: {  	s0 =	simm.s32 $0xB6B0  }
0x1a5: {  	[hbm4b:s13+s4] =	stream.linear.scatter [tilespmem:s0], [sflag:$0x4], $0x3C30, $0x38;
	[tilespmem:$0xF880] =	vst v63  }
0x1a6: {  	_ =	swait.ge [sflag:s29], $0x3C30  }
.Ltmp7:
0x1a7: {  	[sflag:s29] =	ssyncset.done $0x0;
	(pc) =	sbr.rel .LBB2_16-.Ltmp7, $4  }
0x1a8: {  	[sflag:s29] =	ssyncadd.s32 $0xFFFFC3D0  }
0x1a9: {  	_ =	swait.ge [sflag:s30], $0x3C30  }
0x1aa: {  	s28 =	smov.u32 s25;
	[sflag:s30] =	ssyncset.done $0x0  }
0x1ab: {  	s25 =	smov.u32 s6;
	s31 =	simm.s32 $0xF600;
	[sflag:s30] =	ssyncadd.s32 $0xFFFFC3D0  }
.LBB2_2:
0x1ac: {  	s0 =	rddreg [dreg:$0x4]  }
0x1ad: {  	[tilespmem:s4], [sflag:$0x1] =	stream.linear.gather [hbm4b:s0+s4], $0x3D10, $0x38;
	[tilespmem:$0xF880] =	vst v63  }
0x1ae: {  	s6 =	simm.s32 $0x3D10  }
0x1af: {  	[tilespmem:s6], [sflag:$0x2] =	stream.linear.gather [hbm4b:s7+s4], $0x3D10, $0x38;
	[tilespmem:$0xF880] =	vst v63  }
0x1b0: {  	_ = 	snop  }
0x1b1: {  	[tilespmem:s16], [sflag:$0x5] =	stream.linear.gather [hbm4b:s5+s4], $0x80, $0x38;
	[tilespmem:$0xF880] =	vst v63  }
0x1b2: {  	_ =	swait.ge [sflag:s17], $0x80  }
0x1b3: {  	[sflag:s17] =	ssyncset.done $0x0  }
0x1b4: {  	[sflag:s17] =	ssyncadd.s32 $0xFFFFFF80  }
0x1b5: {  	[tilespmem:s18], [sflag:$0x5] =	stream.linear.gather [hbm4b:s25+s4], $0x20, $0x38;
	[tilespmem:$0xF880] =	vst v63  }
0x1b6: {  	_ =	swait.ge [sflag:s17], $0x20  }
0x1b7: {  	[sflag:s17] =	ssyncset.done $0x0  }
0x1b8: {  	[sflag:s17] =	ssyncadd.s32 $0xFFFFFFE0  }
0x1b9: {  	[tilespmem:s31], [sflag:$0x5] =	stream.linear.gather [hbm4b:s28+s4], $0x80, $0x38;
	[tilespmem:$0xF880] =	vst v63  }
0x1ba: {  	_ =	swait.ge [sflag:s17], $0x80  }
0x1bb: {  	[sflag:s17] =	ssyncset.done $0x0  }
0x1bc: {  	[sflag:s17] =	ssyncadd.s32 $0xFFFFFF80  }
0x1bd: {  	v9 =	vld [tilespmem:$0xF600]  }
0x1be: {  	v10 =	vld [tilespmem:$0xF610];
	_ =	sdelay $0x4  }
0x1bf: {  	v9 =	vand.u32 $0x7FFFFFFF, v9;
	v10 =	vand.u32 $0x7FFFFFFF, v10  }
0x1c0: {  	v11 =	vld.idx.msk [tilespmem:v2+s16+$0x0], $0xffff;
	v9 =	vadd.f32 $9.999999710e-10, v9;
	v10 =	vadd.f32 $9.999999710e-10, v10  }
0x1c1: {  	vm0 =	veq.s32 v4, $0xF  }
0x1c2: {  	(xrf2) =	vadd.scan.msk.f32 $0xffff, v9;
	v9 =	vsel vm0, $0x0, v10  }
0x1c3: {  	v10 =	vld.idx.msk [tilespmem:v1+s16+$0x0], $0xffff;
	(xrf2) =	vadd.scan.msk.f32 $0xffff, v9;
	_ =	sdelay $0x1  }
0x1c4: {  	v9 =	vadd.f32 v11, v11;
	_ =	sdelay $0x1  }
0x1c5: {  	v9 =	vmul.f32 $1.442695020e+00, v9  }
0x1c6: {  	(erf) = vrcp.f32 v10  }
0x1c7: {  	(erf) = vpow2.f32 v9;
	_ =	sdelay $0x2  }
0x1c8: {  	v13 =	vld.idx.msk [tilespmem:v3+s16+$0x0], $0xffff;
	v11, _, _ =	vpop (xrf2)  }
0x1c9: {  	v9 =	vld.idx.msk [tilespmem:v0+s16+$0x0], $0xffff;
	[tilespmem:$0xF800] =	vst v11;
	v12, _, _ =	vpop (xrf2)  }
0x1ca: {  	v14 =	vld.idx.msk [tilespmem:v5+s20+$0x0], $0xffff;
	[tilespmem:$0xF800] =	vst v12  }
0x1cb: {  	v15 =	vld.idx.msk [tilespmem:v5+s20+$0x0], $0xffff;
	_ =	sdelay $0x1  }
0x1cc: {  	v16 =	vpop (erf)  }
0x1cd: {  	v17 =	vpop (erf)  }
0x1ce: {  	v17 =	vadd.f32 $1.000000000e+00, v17  }
0x1cf: {  	v15 =	vadd.f32 v15, v14  }
0x1d0: {  	(erf) = vrcp.f32 v17  }
0x1d1: {  	(erf) = vrcp.f32 v15;
	_ =	sdelay $0x7  }
0x1d2: {  	v15 =	vpop (erf)  }
0x1d3: {  	v12 =	vadd.f32 v12, v14;
	v17 =	vpop (erf)  }
0x1d4: {  	v11 =	vmul.f32 v17, v11  }
0x1d5: {  	[tilespmem:$0xF680] =	vst v6;
	v12 =	vmul.f32 v17, v12  }
0x1d6: {  	[tilespmem:v7+s21+$0x0] =	vst.idx.msk $0xffff, v11  }
0x1d7: {  	[tilespmem:v8+s21+$0x0] =	vst.idx.msk $0xffff, v12  }
0x1d8: {  	v11 =	vld [tilespmem:$0xF580]  }
0x1d9: {  	v12 =	vld.idx.msk [tilespmem:v7+s18+$0x0], $0xffff;
	_ =	sdelay $0x4  }
0x1da: {  	v12 =	vsub.f32 v12, v11;
	_ =	sdelay $0x1  }
0x1db: {  	v12 =	vadd.f32 $1.000000010e-07, v12;
	_ =	sdelay $0x1  }
0x1dc: {  	(erf) = vrcp.f32 v12;
	_ =	sdelay $0x1  }
0x1dd: {  	v14 =	vld.idx.msk [tilespmem:v7+s21+$0x0], $0xffff  }
0x1de: {  	v12 =	vld [tilespmem:$0xF680];
	_ =	sdelay $0x4  }
0x1df: {  	v17 =	vmul.f32 v16, v9;
	v14 =	vsub.f32 v14, v12  }
0x1e0: {  	v18 =	vpop (erf)  }
0x1e1: {  	v11 =	vadd.f32 v11, v17;
	v14 =	vmul.f32 v18, v14;
	_ =	sdelay $0x1  }
0x1e2: {  	v11 =	vmul.f32 v14, v11;
	_ =	sdelay $0x1  }
0x1e3: {  	v11 =	vsub.f32 v12, v11  }
0x1e4: {  	v12 =	vmul.f32 v14, v16  }
0x1e5: {  	v11 =	vadd.f32 $-5.000000000e-01, v11  }
0x1e6: {  	v12 =	vmul.f32 v12, v13  }
0x1e7: {  	v11 =	vmul.f32 v11, v13  }
0x1e8: {  	[tilespmem:$0xF700] =	vst v12  }
0x1e9: {  	[tilespmem:$0xF780] =	vst v11;
	v11 =	vld [tilespmem:$0xF590]  }
0x1ea: {  	v12 =	vld.idx.msk [tilespmem:v8+s18+$0x0], $0xffff;
	_ =	sdelay $0x4  }
0x1eb: {  	v12 =	vsub.f32 v12, v11;
	_ =	sdelay $0x1  }
0x1ec: {  	v12 =	vadd.f32 $1.000000010e-07, v12;
	_ =	sdelay $0x1  }
0x1ed: {  	(erf) = vrcp.f32 v12;
	_ =	sdelay $0x1  }
0x1ee: {  	v14 =	vld.idx.msk [tilespmem:v8+s21+$0x0], $0xffff  }
0x1ef: {  	v12 =	vld [tilespmem:$0xF690];
	_ =	sdelay $0x4  }
0x1f0: {  	v14 =	vsub.f32 v14, v12  }
0x1f1: {  	v18 =	vpop (erf)  }
0x1f2: {  	v11 =	vadd.f32 v11, v17;
	v14 =	vmul.f32 v18, v14;
	_ =	sdelay $0x1  }
0x1f3: {  	v11 =	vmul.f32 v14, v11;
	_ =	sdelay $0x1  }
0x1f4: {  	v11 =	vsub.f32 v12, v11  }
0x1f5: {  	v12 =	vmul.f32 v14, v16  }
0x1f6: {  	v11 =	vadd.f32 $-5.000000000e-01, v11  }
0x1f7: {  	v12 =	vmul.f32 v12, v13  }
0x1f8: {  	v11 =	vmul.f32 v11, v13  }
0x1f9: {  	[tilespmem:$0xF710] =	vst v12  }
0x1fa: {  	[tilespmem:$0xF790] =	vst v11  }
0x1fb: {  	_ =	swait.ge [sflag:s22], $0x3D10  }
0x1fc: {  	[sflag:s22] =	ssyncset.done $0x0  }
0x1fd: {  	s15 =	simm.s32 $0x40;
	[sflag:s22] =	ssyncadd.s32 $0xFFFFC2F0  }
0x1fe: {  	v19 =	vld [tilespmem:s15+$0x30]  }
0x1ff: {  	v14 =	vld [tilespmem:s15+$0xFFFFFFF0]  }
0x200: {  	v11 =	vadd.f32 v15, v15;
	v21 =	vld [tilespmem:s15+$0x0];
	_ =	sdelay $0x1  }
0x201: {  	v12 =	vsub.f32 $1.000000000e+00, v11;
	v20 =	vld [tilespmem:s15+$0xFFFFFFE0]  }
0x202: {  	v23 =	vld [tilespmem:s15+$0x20]  }
0x203: {  	v11 =	vadd.f32 v10, v9;
	v15 =	vld [tilespmem:s15+$0xFFFFFFD0];
	v17 =	vmul.f32 $5.000000000e-01, v12;
	v12 =	vmul.f32 $3.100000000e+01, v16  }
0x204: {  	v25 =	vld [tilespmem:s15+$0xFFFFFFC0];
	v10 =	vmax.f32 v19, v9;
	v18 =	vmax.f32 v14, v9;
	v26 =	vmax.f32 v21, v9  }
0x205: {  	v24 =	vmin.f32 v10, v11;
	v16 =	vmin.f32 v18, v11;
	v10 =	vmul.f32 v17, v13  }
0x206: {  	v13 =	vmax.f32 v20, v9;
	v31 =	vmin.f32 v26, v11;
	v18 =	vsub.f32 v24, v9  }
0x207: {  	v22 =	vld [tilespmem:s15+$0x10];
	v26 =	vmax.f32 v23, v9;
	v17 =	vsub.f32 v16, v9;
	v30 =	vmin.f32 v13, v11  }
0x208: {  	v32 =	vmin.f32 v26, v11;
	v26 =	vsub.f32 v30, v9;
	v18 =	vmul.f32 v18, v12  }
0x209: {  	v27 =	vmax.f32 v15, v9;
	v28 =	vmax.f32 v25, v9;
	v13 =	vmul.f32 v17, v12  }
0x20a: {  	v29 =	vsub.f32 v32, v9;
	v26 =	vmul.f32 v26, v12;
	v18 =	vtrunc.f32 v18  }
0x20b: {  	v28 =	vmin.f32 v28, v11;
	v13 =	vtrunc.f32 v13;
	v18 =	vcvt.f32.s32 v18  }
0x20c: {  	v17 =	vmax.f32 v22, v9;
	v29 =	vmul.f32 v29, v12;
	v13 =	vcvt.f32.s32 v13  }
0x20d: {  	v33 =	vmin.f32 v17, v11;
	v17 =	vsub.f32 v28, v9;
	vm0 =	vlt.s32 v18, $0x1E  }
0x20e: {  	v26 =	vtrunc.f32 v26;
	vm1 =	vlt.s32 v13, $0x1E;
	v18 =	vnsel vm0, $0x1E, v18  }
0x20f: {  	s19 =	simm.s32 $0xC0;
	vm5 =	veq.f32 v14, $1.110999970e+01;
	v26 =	vcvt.f32.s32 v26;
	v13 =	vnsel vm1, $0x1E, v13  }
0x210: {  	v14 =	vld [tilespmem:s19+$0xFFFFFFC0];
	vm6 =	veq.f32 v23, $1.110999970e+01;
	v29 =	vtrunc.f32 v29;
	v17 =	vmul.f32 v17, v12  }
0x211: {  	v35 =	vmin.f32 v27, v11;
	v23 =	vld [tilespmem:s19+$0x20];
	v27 =	vcvt.f32.s32 v29;
	vm0 =	vlt.s32 v26, $0x1E  }
0x212: {  	v29 =	vsub.f32 v35, v9;
	v39 =	vnsel vm0, $0x1E, v26;
	v26 =	vtrunc.f32 v17;
	v17 =	vld [tilespmem:s19+$0xFFFFFFE0]  }
0x213: {  	v34 =	vsub.f32 v33, v9;
	vm1 =	vlt.s32 v27, $0x1E;
	v37 =	vld.idx.msk [tilespmem:v18+s23+$0x0], $0xffff  }
0x214: {  	vm4 =	veq.f32 v20, $1.110999970e+01;
	v29 =	vmul.f32 v29, v12;
	v56 =	vnsel vm1, $0x1E, v27;
	v38 =	vld.idx.msk [tilespmem:v13+s23+$0x0], $0xffff  }
0x215: {  	vm2 =	veq.f32 v22, $1.110999970e+01;
	vm7 =	veq.f32 v19, $1.110999970e+01;
	v34 =	vmul.f32 v34, v12;
	v40 =	vld.idx.msk [tilespmem:v13+s24+$0x0], $0xffff  }
0x216: {  	v36 =	vsub.f32 v31, v9;
	v22 =	vcvt.f32.s32 v26;
	v55 =	vld.idx.msk [tilespmem:v18+s24+$0x0], $0xffff;
	v18 =	vtrunc.f32 v29  }
0x217: {  	v49 =	vmax.f32 v14, v9;
	v34 =	vtrunc.f32 v34;
	v27 =	vcvt.f32.s32 v18;
	v18 =	vld [tilespmem:s19+$0xFFFFFFF0]  }
0x218: {  	vm8 =	vlt.s32 v22, $0x1E;
	v13 =	vcvt.f32.s32 v34;
	v29 =	vmul.f32 v36, v12;
	v59 =	vld.idx.msk [tilespmem:v39+s23+$0x0], $0xffff  }
0x219: {  	vm0 =	veq.f32 v15, $1.110999970e+01;
	v44 =	vnsel vm8, $0x1E, v22;
	v19 =	vmax.f32 v17, v9;
	v46 =	vld.idx.msk [tilespmem:v56+s23+$0x0], $0xffff  }
0x21a: {  	v39 =	vld.idx.msk [tilespmem:v39+s24+$0x0], $0xffff;
	vm1 =	vlt.s32 v13, $0x1E;
	v15 =	vtrunc.f32 v29;
	v22 =	vmin.f32 v19, v11  }
0x21b: {  	v41 =	vnsel vm1, $0x1E, v13;
	v13 =	vld [tilespmem:s19+$0x0];
	vm1 =	vlt.s32 v27, $0x1E;
	v57 =	vcvt.f32.s32 v15  }
0x21c: {  	v48 =	vmax.f32 v23, v9;
	v15 =	vld [tilespmem:s19+$0x30];
	v63 =	vsub.f32 v22, v9;
	v58 =	vnsel vm1, $0x1E, v27  }
0x21d: {  	v20 =	vld [tilespmem:s19+$0x10];
	vm1 =	veq.f32 v21, $1.110999970e+01;
	v24 =	vmul.f32 v24, v37;
	vm3 =	vlt.s32 v57, $0x1E  }
0x21e: {  	v36 =	vld.idx.msk [tilespmem:v56+s24+$0x0], $0xffff;
	v29 =	vmul.f32 v16, v38;
	v37 =	vnsel vm3, $0x1E, v57;
	vm3 =	veq.f32 v25, $1.110999970e+01  }
0x21f: {  	v16 =	vld [tilespmem:s19+$0xFFFFFFD0];
	v30 =	vmul.f32 v30, v59;
	v46 =	vmul.f32 v32, v46;
	v21 =	vadd.f32 v24, v55  }
0x220: {  	v24 =	vmax.f32 v18, v9;
	v40 =	vadd.f32 v29, v40;
	v25 =	vmax.f32 v13, v9  }
0x221: {  	v26 =	vmax.f32 v15, v9;
	v27 =	vmin.f32 v24, v11;
	v56 =	vadd.f32 v30, v39  }
0x222: {  	v42 =	vsel vm7, v10, v21;
	v26 =	vmin.f32 v26, v11;
	v45 =	vld.idx.msk [tilespmem:v58+s23+$0x0], $0xffff;
	v24 =	vsub.f32 v27, v9  }
0x223: {  	v19 =	vmin.f32 v25, v11;
	v25 =	vmax.f32 v20, v9;
	v21 =	vsub.f32 v26, v9  }
0x224: {  	v60 =	vld.idx.msk [tilespmem:v58+s24+$0x0], $0xffff;
	v58 =	vadd.f32 v46, v36;
	v43 =	vmax.f32 v16, v9;
	v61 =	vmul.f32 v24, v12  }
0x225: {  	v29 =	vsub.f32 v19, v9;
	v24 =	vmin.f32 v48, v11;
	v50 =	vmul.f32 v21, v12  }
0x226: {  	v25 =	vmin.f32 v25, v11;
	v48 =	vsub.f32 v24, v9;
	v54 =	vtrunc.f32 v61  }
0x227: {  	v30 =	vld.idx.msk [tilespmem:v44+s23+$0x0], $0xffff;
	v21 =	vmin.f32 v49, v11;
	v62 =	vtrunc.f32 v50;
	v45 =	vmul.f32 v35, v45  }
0x228: {  	s0 =	simm.s32 $0x7AC0;
	v47 =	vld.idx.msk [tilespmem:v37+s23+$0x0], $0xffff;
	v53 =	vsub.f32 v21, v9;
	v38 =	vcvt.f32.s32 v54;
	v55 =	vmul.f32 v48, v12  }
0x229: {  	v51 =	vld.idx.msk [tilespmem:v41+s23+$0x0], $0xffff;
	[tilespmem:s0+$0x30] =	vst v42;
	v42 =	vsel vm4, v10, v56;
	v50 =	vmul.f32 v63, v12;
	v49 =	vcvt.f32.s32 v62  }
0x22a: {  	v37 =	vld.idx.msk [tilespmem:v37+s24+$0x0], $0xffff;
	v63 =	vsub.f32 v25, v9;
	v35 =	vmul.f32 v53, v12;
	vm7 =	vlt.s32 v38, $0x1E  }
0x22b: {  	v41 =	vld.idx.msk [tilespmem:v41+s24+$0x0], $0xffff;
	v62 =	vsel vm5, v10, v40;
	vm15 =	vlt.s32 v49, $0x1E;
	v39 =	vnsel vm7, $0x1E, v38  }
0x22c: {  	v40 =	vmul.f32 v28, v30;
	v59 =	vtrunc.f32 v50;
	v36 =	vnsel vm15, $0x1E, v49  }
0x22d: {  	v34 =	vld.idx.msk [tilespmem:v44+s24+$0x0], $0xffff;
	v28 =	vsel vm6, v10, v58;
	v31 =	vmul.f32 v31, v47;
	v61 =	vcvt.f32.s32 v59  }
0x22e: {  	v32 =	vadd.f32 v45, v60;
	v57 =	vtrunc.f32 v55;
	v60 =	vmul.f32 v33, v51  }
0x22f: {  	v31 =	vadd.f32 v31, v37;
	v37 =	vcvt.f32.s32 v57;
	vm6 =	vlt.s32 v61, $0x1E  }
0x230: {  	s2 =	simm.s32 $0x80;
	[tilespmem:s0+$0x20] =	vst v28;
	v28 =	vmin.f32 v43, v11;
	v41 =	vadd.f32 v60, v41;
	v33 =	vnsel vm6, $0x1E, v61;
	v30 =	vld.idx.msk [tilespmem:v39+s24+$0x0], $0xffff  }
0x231: {  	s3 =	simm.s32 $0x7B40;
	s15 =	simm.s32 $0x7B40;
	s19 =	simm.s32 $0x140;
	[tilespmem:s0+$0xFFFFFFF0] =	vst v62;
	v43 =	vmul.f32 v63, v12;
	v44 =	vsub.f32 v28, v9;
	vm5 =	vlt.s32 v37, $0x1E;
	v38 =	vld.idx.msk [tilespmem:v36+s23+$0x0], $0xffff  }
.LBB2_3:
0x232: {  	s2 =	sadd.s32 $0x80, s2;
	v35 =	vtrunc.f32 v35;
	v39 =	vld.idx.msk [tilespmem:v39+s23+$0x0], $0xffff;
	s3 =	sadd.s32 $0x80, s3;
	v34 =	vadd.f32 v40, v34;
	[tilespmem:s0+$0xFFFFFFE0] =	vst v42;
	v40 =	vsel vm2, v10, v41  }
0x233: {  	v32 =	vsel vm0, v10, v32;
	v41 =	vld [tilespmem:s19+$0x30];
	p1 =	slt.u32 s2, $0x3C80;
	v42 =	vmul.f32 v44, v12;
	v43 =	vtrunc.f32 v43;
	[tilespmem:s0+$0x10] =	vst v40  }
0x234: {  	v31 =	vsel vm1, v10, v31;
	v40 =	vcvt.f32.s32 v43;
	v36 =	vld.idx.msk [tilespmem:v36+s24+$0x0], $0xffff;
	v34 =	vsel vm3, v10, v34;
	[tilespmem:s0+$0xFFFFFFD0] =	vst v32  }
0x235: {  	v29 =	vmul.f32 v29, v12;
	v37 =	vnsel vm5, $0x1E, v37;
	v32 =	vtrunc.f32 v42;
	v42 =	vld.idx.msk [tilespmem:v33+s24+$0x0], $0xffff;
	[tilespmem:s0+$0x0] =	vst v31  }
0x236: {  	vm0 =	veq.f32 v16, $1.110999970e+01;
	v31 =	vld [tilespmem:s19+$0xFFFFFFE0];
	v32 =	vcvt.f32.s32 v32;
	vm1 =	vlt.s32 v40, $0x1E;
	[tilespmem:s0+$0xFFFFFFC0] =	vst v34;
	s0 =	smov.u32 s15;
	s15 =	smov.u32 s3  }
0x237: {  	v16 =	vtrunc.f32 v29;
	v26 =	vmul.f32 v26, v38;
	v34 =	vld [tilespmem:s19+$0xFFFFFFF0];
	v40 =	vnsel vm1, $0x1E, v40  }
0x238: {  	v38 =	vmul.f32 v27, v39;
	v27 =	vcvt.f32.s32 v16;
	v29 =	vld [tilespmem:s19+$0x0];
	vm1 =	vlt.s32 v32, $0x1E  }
0x239: {  	vm4 =	veq.f32 v17, $1.110999970e+01;
	v39 =	vld [tilespmem:s19+$0xFFFFFFC0];
	v32 =	vnsel vm1, $0x1E, v32;
	vm1 =	veq.f32 v13, $1.110999970e+01  }
0x23a: {  	vm5 =	veq.f32 v18, $1.110999970e+01;
	vm2 =	veq.f32 v20, $1.110999970e+01;
	vm3 =	vlt.s32 v27, $0x1E;
	v16 =	vld [tilespmem:s19+$0xFFFFFFD0]  }
0x23b: {  	vm6 =	veq.f32 v23, $1.110999970e+01;
	v26 =	vadd.f32 v26, v36;
	v43 =	vnsel vm3, $0x1E, v27;
	v20 =	vld [tilespmem:s19+$0x10];
	v17 =	vmovc v31  }
0x23c: {  	vm7 =	veq.f32 v15, $1.110999970e+01;
	v15 =	vmovc v41;
	v27 =	vcvt.f32.s32 v35;
	vm3 =	veq.f32 v14, $1.110999970e+01;
	v31 =	vld.idx.msk [tilespmem:v33+s23+$0x0], $0xffff;
	v18 =	vmovc v34  }
0x23d: {  	v33 =	vmax.f32 v17, v9;
	v34 =	vmax.f32 v18, v9;
	v35 =	vmax.f32 v29, v9;
	v23 =	vld [tilespmem:s19+$0x20];
	v13 =	vmovc v29  }
0x23e: {  	v41 =	vsel vm7, v10, v26;
	vm8 =	vlt.s32 v27, $0x1E;
	v29 =	vmax.f32 v15, v9;
	v36 =	vld.idx.msk [tilespmem:v32+s23+$0x0], $0xffff;
	v14 =	vmovc v39  }
0x23f: {  	v26 =	vmin.f32 v29, v11;
	v39 =	vnsel vm8, $0x1E, v27;
	v44 =	vmax.f32 v16, v9;
	v45 =	vld.idx.msk [tilespmem:v37+s23+$0x0], $0xffff;
	[tilespmem:s0+$0x30] =	vst v41  }
0x240: {  	v30 =	vadd.f32 v38, v30;
	v33 =	vmin.f32 v33, v11;
	v27 =	vmin.f32 v34, v11;
	v38 =	vld.idx.msk [tilespmem:v43+s23+$0x0], $0xffff  }
0x241: {  	v35 =	vmin.f32 v35, v11;
	v34 =	vsub.f32 v26, v9;
	v41 =	vmax.f32 v20, v9;
	v43 =	vld.idx.msk [tilespmem:v43+s24+$0x0], $0xffff  }
0x242: {  	v46 =	vsub.f32 v27, v9;
	v29 =	vsub.f32 v35, v9;
	v47 =	vmax.f32 v23, v9;
	v32 =	vld.idx.msk [tilespmem:v32+s24+$0x0], $0xffff  }
0x243: {  	v48 =	vmax.f32 v14, v9;
	v34 =	vmul.f32 v34, v12;
	v31 =	vmul.f32 v22, v31;
	v37 =	vld.idx.msk [tilespmem:v37+s24+$0x0], $0xffff  }
0x244: {  	v48 =	vmin.f32 v48, v11;
	v46 =	vmul.f32 v46, v12;
	v47 =	vmin.f32 v47, v11;
	v49 =	vld.idx.msk [tilespmem:v39+s23+$0x0], $0xffff  }
0x245: {  	v22 =	vmovc v33;
	v34 =	vtrunc.f32 v34;
	v28 =	vmul.f32 v28, v36;
	v50 =	vsub.f32 v47, v9;
	v51 =	vld.idx.msk [tilespmem:v40+s23+$0x0], $0xffff  }
0x246: {  	v33 =	vsub.f32 v22, v9;
	v36 =	vcvt.f32.s32 v34;
	v45 =	vmul.f32 v24, v45;
	v24 =	vmovc v47;
	v34 =	vld.idx.msk [tilespmem:v39+s24+$0x0], $0xffff  }
0x247: {  	v46 =	vtrunc.f32 v46;
	v38 =	vmul.f32 v19, v38;
	v19 =	vmovc v35;
	v39 =	vsub.f32 v48, v9  }
0x248: {  	v42 =	vadd.f32 v31, v42;
	v46 =	vcvt.f32.s32 v46;
	v47 =	vmul.f32 v50, v12  }
0x249: {  	v33 =	vmul.f32 v33, v12;
	v32 =	vadd.f32 v28, v32;
	v35 =	vmul.f32 v39, v12  }
0x24a: {  	vm7 =	vlt.s32 v46, $0x1E;
	vm8 =	vlt.s32 v36, $0x1E;
	v31 =	vadd.f32 v38, v43;
	v38 =	vld.idx.msk [tilespmem:v40+s24+$0x0], $0xffff  }
0x24b: {  	v39 =	vnsel vm7, $0x1E, v46;
	v28 =	vtrunc.f32 v47;
	v43 =	vadd.f32 v45, v37  }
0x24c: {  	v33 =	vtrunc.f32 v33;
	v36 =	vnsel vm8, $0x1E, v36;
	v45 =	vmul.f32 v25, v51  }
.Ltmp8:
0x24d: {  	v33 =	vcvt.f32.s32 v33;
	v37 =	vcvt.f32.s32 v28;
	v28 =	vsel vm5, v10, v30;
	(pc) =	sbr.rel @p1 .LBB2_3-.Ltmp8, $4  }
0x24e: {  	v25 =	vmin.f32 v41, v11;
	v40 =	vmul.f32 v21, v49;
	[tilespmem:s0+$0xFFFFFFF0] =	vst v28;
	v28 =	vsel vm6, v10, v43  }
0x24f: {  	v21 =	vmovc v48;
	vm5 =	vlt.s32 v37, $0x1E;
	vm6 =	vlt.s32 v33, $0x1E;
	v43 =	vsub.f32 v25, v9;
	[tilespmem:s0+$0x20] =	vst v28  }
0x250: {  	v28 =	vmin.f32 v44, v11;
	v33 =	vnsel vm6, $0x1E, v33;
	v41 =	vadd.f32 v45, v38;
	v30 =	vld.idx.msk [tilespmem:v39+s24+$0x0], $0xffff  }
0x251: {  	s19 =	sadd.s32 $0x80, s19;
	v42 =	vsel vm4, v10, v42;
	v44 =	vsub.f32 v28, v9;
	v43 =	vmul.f32 v43, v12;
	v38 =	vld.idx.msk [tilespmem:v36+s23+$0x0], $0xffff  }
0x252: {  	_ = 	snop  }
0x253: {  	v44 =	vmul.f32 v44, v12  }
0x254: {  	v29 =	vmul.f32 v29, v12  }
0x255: {  	v44 =	vtrunc.f32 v44  }
0x256: {  	v29 =	vtrunc.f32 v29;
	v44 =	vcvt.f32.s32 v44  }
0x257: {  	v37 =	vnsel vm5, $0x1E, v37;
	v43 =	vtrunc.f32 v43;
	v29 =	vcvt.f32.s32 v29  }
0x258: {  	v39 =	vld.idx.msk [tilespmem:v39+s23+$0x0], $0xffff;
	v43 =	vcvt.f32.s32 v43;
	vm4 =	vlt.s32 v44, $0x1E  }
0x259: {  	v36 =	vld.idx.msk [tilespmem:v36+s24+$0x0], $0xffff;
	v44 =	vnsel vm4, $0x1E, v44;
	vm4 =	vlt.s32 v29, $0x1E  }
0x25a: {  	v35 =	vtrunc.f32 v35;
	v45 =	vld.idx.msk [tilespmem:v33+s24+$0x0], $0xffff;
	v29 =	vnsel vm4, $0x1E, v29;
	vm4 =	vlt.s32 v43, $0x1E  }
0x25b: {  	v54 =	vld.idx.msk [tilespmem:v33+s23+$0x0], $0xffff;
	v35 =	vcvt.f32.s32 v35;
	v43 =	vnsel vm4, $0x1E, v43  }
0x25c: {  	v47 =	vld.idx.msk [tilespmem:v37+s23+$0x0], $0xffff  }
0x25d: {  	v37 =	vld.idx.msk [tilespmem:v37+s24+$0x0], $0xffff;
	vm4 =	vlt.s32 v35, $0x1E  }
0x25e: {  	v35 =	vnsel vm4, $0x1E, v35;
	v46 =	vld.idx.msk [tilespmem:v44+s23+$0x0], $0xffff  }
0x25f: {  	v34 =	vadd.f32 v40, v34;
	[tilespmem:s0+$0xFFFFFFE0] =	vst v42;
	v57 =	vld.idx.msk [tilespmem:v44+s24+$0x0], $0xffff  }
0x260: {  	v41 =	vsel vm2, v10, v41;
	v32 =	vsel vm0, v10, v32;
	v31 =	vsel vm1, v10, v31;
	v56 =	vld.idx.msk [tilespmem:v43+s23+$0x0], $0xffff  }
0x261: {  	vm0 =	veq.f32 v17, $1.110999970e+01;
	vm1 =	veq.f32 v18, $1.110999970e+01;
	[tilespmem:s0+$0x10] =	vst v41;
	v26 =	vmul.f32 v26, v38;
	v55 =	vld.idx.msk [tilespmem:v29+s23+$0x0], $0xffff  }
0x262: {  	vm2 =	veq.f32 v20, $1.110999970e+01;
	[tilespmem:s0+$0xFFFFFFD0] =	vst v32;
	v34 =	vsel vm3, v10, v34;
	v27 =	vmul.f32 v27, v39;
	v17 =	vld.idx.msk [tilespmem:v43+s24+$0x0], $0xffff  }
0x263: {  	[tilespmem:s0+$0x0] =	vst v31;
	vm3 =	veq.f32 v23, $1.110999970e+01;
	v18 =	vadd.f32 v26, v36;
	v23 =	vmul.f32 v24, v47;
	v20 =	vld.idx.msk [tilespmem:v35+s23+$0x0], $0xffff  }
0x264: {  	[tilespmem:s0+$0xFFFFFFC0] =	vst v34;
	v22 =	vmul.f32 v22, v54;
	vm4 =	veq.f32 v15, $1.110999970e+01;
	v15 =	vadd.f32 v27, v30;
	v24 =	vld.idx.msk [tilespmem:v29+s24+$0x0], $0xffff  }
0x265: {  	v18 =	vsel vm4, v10, v18;
	v23 =	vadd.f32 v23, v37;
	v26 =	vld.idx.msk [tilespmem:v35+s24+$0x0], $0xffff;
	v25 =	vmul.f32 v25, v56  }
0x266: {  	v22 =	vadd.f32 v22, v45;
	[tilespmem:s15+$0x30] =	vst v18;
	v15 =	vsel vm1, v10, v15;
	v18 =	vmul.f32 v28, v46  }
0x267: {  	[tilespmem:s15+$0xFFFFFFF0] =	vst v15;
	v15 =	vsel vm3, v10, v23;
	v19 =	vmul.f32 v19, v55;
	v17 =	vadd.f32 v25, v17  }
0x268: {  	[tilespmem:s15+$0x20] =	vst v15;
	v15 =	vsel vm0, v10, v22;
	v18 =	vadd.f32 v18, v57;
	v20 =	vmul.f32 v21, v20  }
0x269: {  	vm0 =	veq.f32 v16, $1.110999970e+01;
	[tilespmem:s15+$0xFFFFFFE0] =	vst v15;
	v16 =	vadd.f32 v19, v24;
	v15 =	vsel vm2, v10, v17  }
0x26a: {  	vm1 =	veq.f32 v13, $1.110999970e+01;
	v13 =	vadd.f32 v20, v26;
	v17 =	vsel vm0, v10, v18;
	[tilespmem:s15+$0x10] =	vst v15  }
0x26b: {  	vm0 =	veq.f32 v14, $1.110999970e+01;
	v14 =	vsel vm1, v10, v16;
	[tilespmem:s15+$0xFFFFFFD0] =	vst v17  }
0x26c: {  	v13 =	vsel vm0, v10, v13;
	[tilespmem:s15+$0x0] =	vst v14  }
0x26d: {  	[tilespmem:s15+$0xFFFFFFC0] =	vst v13  }
0x26e: {  	v13 =	vld [tilespmem:$0x3D00];
	_ =	sdelay $0x4  }
0x26f: {  	v14 =	vmax.f32 v13, v9  }
0x270: {  	v14 =	vmin.f32 v14, v11  }
0x271: {  	v15 =	vsub.f32 v14, v9;
	_ =	sdelay $0x1  }
0x272: {  	v15 =	vmul.f32 v15, v12;
	_ =	sdelay $0x1  }
0x273: {  	v15 =	vtrunc.f32 v15  }
0x274: {  	v15 =	vcvt.f32.s32 v15;
	_ =	sdelay $0x1  }
0x275: {  	vm0 =	vlt.s32 v15, $0x1E  }
0x276: {  	v15 =	vnsel vm0, $0x1E, v15;
	_ =	sdelay $0x4  }
0x277: {  	v16 =	vld.idx.msk [tilespmem:v15+s23+$0x0], $0xffff;
	_ =	sdelay $0x1  }
0x278: {  	v15 =	vld.idx.msk [tilespmem:v15+s24+$0x0], $0xffff;
	_ =	sdelay $0x2  }
0x279: {  	v14 =	vmul.f32 v14, v16;
	_ =	sdelay $0x1  }
0x27a: {  	v14 =	vadd.f32 v14, v15  }
0x27b: {  	vm0 =	veq.f32 v13, $1.110999970e+01  }
0x27c: {  	v13 =	vsel vm0, v10, v14  }
0x27d: {  	s6 =	simm.s32 $0x7A80;
	[tilespmem:$0xB780] =	vst v13  }
0x27e: {  	[hbm4b:s8+s4] =	stream.linear.scatter [tilespmem:s6], [sflag:$0x3], $0x3D10, $0x38;
	[tilespmem:$0xF880] =	vst v63  }
0x27f: {  	_ =	swait.ge [sflag:s26], $0x3D10  }
0x280: {  	[sflag:s26] =	ssyncset.done $0x0  }
0x281: {  	s15 =	simm.s32 $0x3D80;
	[sflag:s26] =	ssyncadd.s32 $0xFFFFC2F0  }
0x282: {  	v19 =	vld [tilespmem:s15+$0x0]  }
0x283: {  	v14 =	vld [tilespmem:s15+$0xFFFFFFC0]  }
0x284: {  	v16 =	vld [tilespmem:s15+$0xFFFFFFB0]  }
0x285: {  	v20 =	vld [tilespmem:s15+$0xFFFFFFD0]  }
0x286: {  	v13 =	vld [tilespmem:s15+$0xFFFFFFA0]  }
0x287: {  	v23 =	vld [tilespmem:s15+$0xFFFFFF90];
	_ =	sdelay $0x1  }
0x288: {  	v22 =	vld [tilespmem:s15+$0xFFFFFFF0];
	v15 =	vmax.f32 v19, v9  }
0x289: {  	v17 =	vmax.f32 v14, v9;
	v18 =	vmax.f32 v16, v9;
	v15 =	vmin.f32 v15, v11  }
0x28a: {  	v26 =	vmax.f32 v20, v9;
	v24 =	vmin.f32 v17, v11;
	v17 =	vsub.f32 v15, v9  }
0x28b: {  	v27 =	vmax.f32 v13, v9;
	v28 =	vmax.f32 v23, v9;
	v25 =	vsub.f32 v24, v9  }
0x28c: {  	v21 =	vld [tilespmem:s15+$0xFFFFFFE0];
	vm4 =	veq.f32 v16, $1.110999970e+01;
	v30 =	vmin.f32 v18, v11;
	v17 =	vmul.f32 v17, v12  }
0x28d: {  	v31 =	vmin.f32 v26, v11;
	v26 =	vmax.f32 v22, v9;
	v18 =	vmul.f32 v25, v12  }
0x28e: {  	v32 =	vmin.f32 v26, v11;
	v26 =	vsub.f32 v30, v9;
	v17 =	vtrunc.f32 v17  }
0x28f: {  	vm5 =	veq.f32 v14, $1.110999970e+01;
	v18 =	vtrunc.f32 v18;
	v17 =	vcvt.f32.s32 v17  }
0x290: {  	v28 =	vmin.f32 v28, v11;
	v26 =	vmul.f32 v26, v12;
	v18 =	vcvt.f32.s32 v18  }
0x291: {  	v29 =	vsub.f32 v32, v9;
	v25 =	vmax.f32 v21, v9;
	vm0 =	vlt.s32 v17, $0x1E  }
0x292: {  	v26 =	vtrunc.f32 v26;
	vm1 =	vlt.s32 v18, $0x1E;
	v17 =	vnsel vm0, $0x1E, v17  }
0x293: {  	v29 =	vmul.f32 v29, v12;
	v26 =	vcvt.f32.s32 v26;
	v18 =	vnsel vm1, $0x1E, v18  }
0x294: {  	s19 =	simm.s32 $0x3E00;
	v35 =	vmin.f32 v27, v11;
	v58 =	vsub.f32 v28, v9;
	v25 =	vmin.f32 v25, v11  }
0x295: {  	v16 =	vld [tilespmem:s19+$0xFFFFFFA0];
	v59 =	vsub.f32 v25, v9;
	v29 =	vtrunc.f32 v29;
	vm0 =	vlt.s32 v26, $0x1E  }
0x296: {  	v27 =	vcvt.f32.s32 v29;
	v63 =	vnsel vm0, $0x1E, v26;
	vm0 =	veq.f32 v13, $1.110999970e+01;
	v13 =	vld [tilespmem:s19+$0xFFFFFFD0]  }
0x297: {  	vm3 =	veq.f32 v21, $1.110999970e+01;
	v29 =	vsub.f32 v35, v9;
	v34 =	vmul.f32 v59, v12;
	v61 =	vld.idx.msk [tilespmem:v17+s23+$0x0], $0xffff  }
0x298: {  	v60 =	vsub.f32 v31, v9;
	v33 =	vmul.f32 v58, v12;
	vm1 =	vlt.s32 v27, $0x1E;
	v62 =	vld.idx.msk [tilespmem:v18+s23+$0x0], $0xffff  }
0x299: {  	v29 =	vmul.f32 v29, v12;
	v34 =	vtrunc.f32 v34;
	v52 =	vnsel vm1, $0x1E, v27;
	v49 =	vld.idx.msk [tilespmem:v18+s24+$0x0], $0xffff  }
0x29a: {  	vm6 =	veq.f32 v22, $1.110999970e+01;
	v26 =	vtrunc.f32 v33;
	v50 =	vcvt.f32.s32 v34;
	v51 =	vld.idx.msk [tilespmem:v17+s24+$0x0], $0xffff  }
0x29b: {  	vm7 =	veq.f32 v19, $1.110999970e+01;
	v18 =	vtrunc.f32 v29;
	v29 =	vmul.f32 v60, v12;
	v17 =	vld [tilespmem:s19+$0xFFFFFFB0]  }
0x29c: {  	v22 =	vcvt.f32.s32 v26;
	vm1 =	vlt.s32 v50, $0x1E;
	v27 =	vcvt.f32.s32 v18;
	v18 =	vld [tilespmem:s19+$0xFFFFFFC0]  }
0x29d: {  	v43 =	vmax.f32 v16, v9;
	v33 =	vnsel vm1, $0x1E, v50;
	v55 =	vld.idx.msk [tilespmem:v63+s23+$0x0], $0xffff;
	v29 =	vtrunc.f32 v29  }
0x29e: {  	vm8 =	vlt.s32 v22, $0x1E;
	v57 =	vld.idx.msk [tilespmem:v52+s23+$0x0], $0xffff;
	vm1 =	vlt.s32 v27, $0x1E;
	v29 =	vcvt.f32.s32 v29  }
0x29f: {  	v14 =	vld [tilespmem:s19+$0xFFFFFF90];
	v44 =	vnsel vm8, $0x1E, v22;
	v53 =	vnsel vm1, $0x1E, v27;
	vm1 =	veq.f32 v20, $1.110999970e+01  }
0x2a0: {  	v39 =	vld.idx.msk [tilespmem:v63+s24+$0x0], $0xffff;
	v37 =	vmul.f32 v15, v61;
	v24 =	vmul.f32 v24, v62;
	vm2 =	vlt.s32 v29, $0x1E  }
0x2a1: {  	v15 =	vld [tilespmem:s19+$0x0];
	v19 =	vmax.f32 v17, v9;
	v54 =	vnsel vm2, $0x1E, v29;
	vm2 =	veq.f32 v23, $1.110999970e+01  }
0x2a2: {  	v20 =	vld [tilespmem:s19+$0xFFFFFFE0];
	v27 =	vmax.f32 v18, v9;
	v29 =	vmax.f32 v13, v9;
	v22 =	vmin.f32 v19, v11  }
0x2a3: {  	v36 =	vld.idx.msk [tilespmem:v52+s24+$0x0], $0xffff;
	v30 =	vmul.f32 v30, v55;
	v45 =	vmul.f32 v32, v57;
	v21 =	vadd.f32 v37, v51  }
0x2a4: {  	v23 =	vld [tilespmem:s19+$0xFFFFFFF0];
	v27 =	vmin.f32 v27, v11;
	v40 =	vadd.f32 v24, v49;
	v19 =	vmin.f32 v29, v11  }
0x2a5: {  	v49 =	vmax.f32 v14, v9;
	v62 =	vsub.f32 v22, v9;
	v51 =	vld.idx.msk [tilespmem:v33+s23+$0x0], $0xffff;
	v24 =	vsub.f32 v27, v9  }
0x2a6: {  	v29 =	vsub.f32 v19, v9;
	v42 =	vsel vm7, v10, v21;
	v56 =	vld.idx.msk [tilespmem:v53+s23+$0x0], $0xffff;
	v26 =	vmax.f32 v15, v9  }
0x2a7: {  	v46 =	vmax.f32 v20, v9;
	v59 =	vld.idx.msk [tilespmem:v53+s24+$0x0], $0xffff;
	v60 =	vmul.f32 v24, v12;
	v26 =	vmin.f32 v26, v11  }
0x2a8: {  	v55 =	vmul.f32 v62, v12;
	v62 =	vsel vm5, v10, v40;
	v58 =	vld.idx.msk [tilespmem:v54+s23+$0x0], $0xffff;
	v21 =	vsub.f32 v26, v9  }
0x2a9: {  	v48 =	vmax.f32 v23, v9;
	v41 =	vld.idx.msk [tilespmem:v54+s24+$0x0], $0xffff;
	v54 =	vadd.f32 v30, v39;
	v52 =	vtrunc.f32 v60  }
0x2aa: {  	v24 =	vmin.f32 v48, v11;
	v60 =	vmul.f32 v25, v51;
	v50 =	vmul.f32 v21, v12  }
0x2ab: {  	v30 =	vld.idx.msk [tilespmem:v44+s23+$0x0], $0xffff;
	v25 =	vmin.f32 v46, v11;
	v48 =	vsub.f32 v24, v9;
	v38 =	vcvt.f32.s32 v52  }
0x2ac: {  	v21 =	vmin.f32 v49, v11;
	v37 =	vmul.f32 v35, v56;
	v61 =	vtrunc.f32 v50  }
0x2ad: {  	v63 =	vsub.f32 v21, v9;
	v53 =	vmul.f32 v48, v12;
	v49 =	vcvt.f32.s32 v61  }
0x2ae: {  	vm7 =	vlt.s32 v38, $0x1E;
	v31 =	vmul.f32 v31, v58;
	v32 =	vadd.f32 v37, v59  }
0x2af: {  	v56 =	vld.idx.msk [tilespmem:v33+s24+$0x0], $0xffff;
	v38 =	vnsel vm7, $0x1E, v38;
	v58 =	vadd.f32 v45, v36;
	vm15 =	vlt.s32 v49, $0x1E  }
0x2b0: {  	s0 =	simm.s32 $0xB800;
	v59 =	vtrunc.f32 v55;
	v40 =	vmul.f32 v28, v30;
	v36 =	vnsel vm15, $0x1E, v49  }
0x2b1: {  	[tilespmem:s0+$0x0] =	vst v42;
	v42 =	vsel vm4, v10, v54;
	v33 =	vld.idx.msk [tilespmem:v44+s24+$0x0], $0xffff;
	v35 =	vmul.f32 v63, v12;
	v61 =	vcvt.f32.s32 v59  }
0x2b2: {  	v57 =	vtrunc.f32 v53;
	v63 =	vsub.f32 v25, v9;
	v31 =	vadd.f32 v31, v41  }
0x2b3: {  	v37 =	vcvt.f32.s32 v57;
	v28 =	vsel vm6, v10, v58;
	vm6 =	vlt.s32 v61, $0x1E  }
0x2b4: {  	s2 =	simm.s32 $0x3D90;
	[tilespmem:s0+$0xFFFFFFF0] =	vst v28;
	v28 =	vmin.f32 v43, v11;
	v41 =	vadd.f32 v60, v56;
	v34 =	vnsel vm6, $0x1E, v61;
	v30 =	vld.idx.msk [tilespmem:v38+s24+$0x0], $0xffff  }
0x2b5: {  	s3 =	simm.s32 $0xB880;
	s15 =	simm.s32 $0xB880;
	s19 =	simm.s32 $0x3E80;
	[tilespmem:s0+$0xFFFFFFC0] =	vst v62;
	v43 =	vmul.f32 v63, v12;
	vm5 =	vlt.s32 v37, $0x1E;
	v44 =	vsub.f32 v28, v9;
	v39 =	vld.idx.msk [tilespmem:v36+s23+$0x0], $0xffff  }
.LBB2_5:
0x2b6: {  	s2 =	sadd.s32 $0x80, s2;
	v35 =	vtrunc.f32 v35;
	v38 =	vld.idx.msk [tilespmem:v38+s23+$0x0], $0xffff;
	s3 =	sadd.s32 $0x80, s3;
	v33 =	vadd.f32 v40, v33;
	[tilespmem:s0+$0xFFFFFFB0] =	vst v42;
	v40 =	vsel vm3, v10, v41  }
0x2b7: {  	v42 =	vmul.f32 v44, v12;
	v43 =	vtrunc.f32 v43;
	v32 =	vsel vm0, v10, v32;
	v41 =	vld [tilespmem:s19+$0x0];
	p1 =	slt.u32 s2, $0x7990;
	[tilespmem:s0+$0xFFFFFFE0] =	vst v40  }
0x2b8: {  	v31 =	vsel vm1, v10, v31;
	v40 =	vcvt.f32.s32 v43;
	v36 =	vld.idx.msk [tilespmem:v36+s24+$0x0], $0xffff;
	v33 =	vsel vm2, v10, v33;
	[tilespmem:s0+$0xFFFFFFA0] =	vst v32  }
0x2b9: {  	v29 =	vmul.f32 v29, v12;
	v37 =	vnsel vm5, $0x1E, v37;
	v32 =	vtrunc.f32 v42;
	v42 =	vld.idx.msk [tilespmem:v34+s24+$0x0], $0xffff;
	[tilespmem:s0+$0xFFFFFFD0] =	vst v31  }
0x2ba: {  	vm0 =	veq.f32 v16, $1.110999970e+01;
	v32 =	vcvt.f32.s32 v32;
	vm1 =	vlt.s32 v40, $0x1E;
	v31 =	vld [tilespmem:s19+$0xFFFFFFB0];
	[tilespmem:s0+$0xFFFFFF90] =	vst v33;
	s0 =	smov.u32 s15;
	s15 =	smov.u32 s3  }
0x2bb: {  	v26 =	vmul.f32 v26, v39;
	v16 =	vtrunc.f32 v29;
	v40 =	vnsel vm1, $0x1E, v40;
	v33 =	vld [tilespmem:s19+$0xFFFFFFC0]  }
0x2bc: {  	vm1 =	vlt.s32 v32, $0x1E;
	v38 =	vmul.f32 v27, v38;
	v27 =	vcvt.f32.s32 v16;
	v29 =	vld [tilespmem:s19+$0xFFFFFFD0]  }
0x2bd: {  	vm4 =	veq.f32 v17, $1.110999970e+01;
	v32 =	vnsel vm1, $0x1E, v32;
	vm1 =	veq.f32 v13, $1.110999970e+01;
	v39 =	vld [tilespmem:s19+$0xFFFFFF90]  }
0x2be: {  	vm5 =	veq.f32 v18, $1.110999970e+01;
	vm3 =	veq.f32 v20, $1.110999970e+01;
	vm2 =	vlt.s32 v27, $0x1E;
	v16 =	vld [tilespmem:s19+$0xFFFFFFA0]  }
0x2bf: {  	vm6 =	veq.f32 v23, $1.110999970e+01;
	v26 =	vadd.f32 v26, v36;
	v43 =	vnsel vm2, $0x1E, v27;
	v20 =	vld [tilespmem:s19+$0xFFFFFFE0];
	v17 =	vmovc v31  }
0x2c0: {  	vm7 =	veq.f32 v15, $1.110999970e+01;
	v15 =	vmovc v41;
	v27 =	vcvt.f32.s32 v35;
	vm2 =	veq.f32 v14, $1.110999970e+01;
	v31 =	vld.idx.msk [tilespmem:v34+s23+$0x0], $0xffff;
	v18 =	vmovc v33  }
0x2c1: {  	v33 =	vmax.f32 v17, v9;
	v34 =	vmax.f32 v18, v9;
	v35 =	vmax.f32 v29, v9;
	v23 =	vld [tilespmem:s19+$0xFFFFFFF0];
	v13 =	vmovc v29  }
0x2c2: {  	v41 =	vsel vm7, v10, v26;
	vm8 =	vlt.s32 v27, $0x1E;
	v29 =	vmax.f32 v15, v9;
	v36 =	vld.idx.msk [tilespmem:v32+s23+$0x0], $0xffff;
	v14 =	vmovc v39  }
0x2c3: {  	v44 =	vnsel vm8, $0x1E, v27;
	v26 =	vmin.f32 v29, v11;
	v39 =	vmax.f32 v16, v9;
	v45 =	vld.idx.msk [tilespmem:v37+s23+$0x0], $0xffff;
	[tilespmem:s0+$0x0] =	vst v41  }
0x2c4: {  	v30 =	vadd.f32 v38, v30;
	v33 =	vmin.f32 v33, v11;
	v27 =	vmin.f32 v34, v11;
	v34 =	vld.idx.msk [tilespmem:v43+s23+$0x0], $0xffff  }
0x2c5: {  	v35 =	vmin.f32 v35, v11;
	v38 =	vsub.f32 v26, v9;
	v41 =	vmax.f32 v20, v9;
	v43 =	vld.idx.msk [tilespmem:v43+s24+$0x0], $0xffff  }
0x2c6: {  	v46 =	vsub.f32 v27, v9;
	v29 =	vsub.f32 v35, v9;
	v47 =	vmax.f32 v23, v9;
	v32 =	vld.idx.msk [tilespmem:v32+s24+$0x0], $0xffff  }
0x2c7: {  	v48 =	vmax.f32 v14, v9;
	v38 =	vmul.f32 v38, v12;
	v31 =	vmul.f32 v22, v31;
	v37 =	vld.idx.msk [tilespmem:v37+s24+$0x0], $0xffff  }
0x2c8: {  	v48 =	vmin.f32 v48, v11;
	v46 =	vmul.f32 v46, v12;
	v47 =	vmin.f32 v47, v11;
	v49 =	vld.idx.msk [tilespmem:v44+s23+$0x0], $0xffff  }
0x2c9: {  	v22 =	vmovc v33;
	v38 =	vtrunc.f32 v38;
	v28 =	vmul.f32 v28, v36;
	v50 =	vsub.f32 v47, v9;
	v51 =	vld.idx.msk [tilespmem:v40+s23+$0x0], $0xffff  }
0x2ca: {  	v36 =	vsub.f32 v22, v9;
	v52 =	vcvt.f32.s32 v38;
	v33 =	vld.idx.msk [tilespmem:v44+s24+$0x0], $0xffff;
	v44 =	vmul.f32 v24, v45;
	v24 =	vmovc v47  }
0x2cb: {  	v38 =	vsub.f32 v48, v9;
	v34 =	vmul.f32 v19, v34;
	v19 =	vmovc v35;
	v45 =	vtrunc.f32 v46  }
0x2cc: {  	v42 =	vadd.f32 v31, v42;
	v46 =	vmul.f32 v50, v12;
	v45 =	vcvt.f32.s32 v45  }
0x2cd: {  	v36 =	vmul.f32 v36, v12;
	v35 =	vmul.f32 v38, v12;
	v32 =	vadd.f32 v28, v32  }
0x2ce: {  	vm8 =	vlt.s32 v52, $0x1E;
	v31 =	vadd.f32 v34, v43;
	vm7 =	vlt.s32 v45, $0x1E;
	v43 =	vld.idx.msk [tilespmem:v40+s24+$0x0], $0xffff  }
0x2cf: {  	v28 =	vtrunc.f32 v46;
	v34 =	vadd.f32 v44, v37;
	v38 =	vnsel vm7, $0x1E, v45  }
0x2d0: {  	v37 =	vtrunc.f32 v36;
	v36 =	vnsel vm8, $0x1E, v52;
	v44 =	vmul.f32 v25, v51  }
.Ltmp9:
0x2d1: {  	v45 =	vcvt.f32.s32 v37;
	v37 =	vcvt.f32.s32 v28;
	v28 =	vsel vm5, v10, v30;
	(pc) =	sbr.rel @p1 .LBB2_5-.Ltmp9, $4  }
0x2d2: {  	v25 =	vmin.f32 v41, v11;
	v40 =	vmul.f32 v21, v49;
	[tilespmem:s0+$0xFFFFFFC0] =	vst v28;
	v28 =	vsel vm6, v10, v34  }
0x2d3: {  	v21 =	vmovc v48;
	v46 =	vsub.f32 v25, v9;
	vm5 =	vlt.s32 v37, $0x1E;
	vm6 =	vlt.s32 v45, $0x1E;
	[tilespmem:s0+$0xFFFFFFF0] =	vst v28  }
0x2d4: {  	v28 =	vmin.f32 v39, v11;
	v34 =	vnsel vm6, $0x1E, v45;
	v41 =	vadd.f32 v44, v43;
	v30 =	vld.idx.msk [tilespmem:v38+s24+$0x0], $0xffff  }
0x2d5: {  	s19 =	sadd.s32 $0x80, s19;
	v42 =	vsel vm4, v10, v42;
	v43 =	vmul.f32 v46, v12;
	v44 =	vsub.f32 v28, v9;
	v39 =	vld.idx.msk [tilespmem:v36+s23+$0x0], $0xffff  }
.Ltmp10:
0x2d6: {  	_ = 	snop;
	(pc) =	sbr.rel .LBB2_6-.Ltmp10, $1  }
0x2d7: {  	_ =	sdelay $0x3  }
.LBB2_17:
0x2d8: {  	_ =	sfence.sel $0x180000  }
0x2d9: {  	[bflag:$0x0] =	sbarrier.arrive $0xFFFF  }
0x2da: {  	_ =	strace $0x90000047  }
0x2db: {  	s0 =	stileid.u32;
	[bflag:$0x2] =	sbarrier.arrive $0xFFFF  }
0x2dc: {  	p0 =	sne.s32 s0, $0x0;
	s0 =	rddreg [dreg:$0x3]  }
0x2dd: {  	s0 =	sadd.s32 @!p0 $0x100000, s0  }
0x2de: {  	[sflag:s0] =	ssyncadd.tile.s32 @!p0 $0x1;
	_ =	shalt  }
.Lfunc_end2:
_tile_overlayer_lowered:
.L_overlay_start_2:
0x2df: {  	(tag) =	ssettag $0x2  }
0x2e0: {  	s0 =	rddreg [dreg:$0x0];
	s2 =	stileid.u32  }
0x2e1: {  	s1 =	rddreg [dreg:$0x1];
	p0 =	sne.s32 s2, $0x0  }
0x2e2: {  	s3 =	rddreg [dreg:$0x2];
	[bflag:$0x3] =	sbarrier.arrive $0xFFFF;
	s2 =	simm.s32 @!p0 $0x1C05  }
0x2e3: {  	[timem:s3], [sflag:s2] =	dma.local @!p0 [hbm:s0], s1  }
0x2e4: {  	s0 =	simm.s32 @!p0 $0x5  }
0x2e5: {  	_ =	swait.ge @!p0 [sflag:s0], s1  }
0x2e6: {  	s1 =	ssub.s32 @!p0 $0x0, s1;
	[sflag:s0] =	ssyncset.done @!p0 $0x0  }
0x2e7: {  	[sflag:s0] =	ssyncadd.s32 @!p0 s1  }
0x2e8: {  	[bflag:$0x3] =	sbarrier.arrive $0xFFFF  }
0x2e9: {  	_ =	shalt  }

</sc_bundles>
